<compile_context>
chip_gen: v7x
topology: tpu7x:2x2x1
jax: 0.10.2.dev20260603
libtpu: 0.0.44.dev20260713+nightly
codegen_flags: <defaults>
</compile_context>

<pallas_src>
import functools

import jax
import jax.numpy as jnp
import numpy as np
from jax import lax
from jax.experimental import pallas as pl
from jax.experimental.pallas import tpu as pltpu
from jax.experimental.pallas import tpu_sc as plsc

_PATCHES_PER_INDEX = 16
_NUM_RANDOM_INDEXES = 4



def _rotl(x, d):
    return ((x << np.uint32(d)) | (x >> np.uint32(32 - d))).astype(np.uint32)


def _threefry_core(k0, k1, x0, x1):
    x0 = x0.astype(np.uint32).copy()
    x1 = x1.astype(np.uint32).copy()
    ks = [np.uint32(k0), np.uint32(k1),
          np.uint32(np.uint32(k0) ^ np.uint32(k1) ^ np.uint32(0x1BD11BDA))]
    rot = [(13, 15, 26, 6), (17, 29, 16, 24)]
    x0 += ks[0]
    x1 += ks[1]
    for i in range(5):
        for d in rot[i % 2]:
            x0 = x0 + x1
            x1 = _rotl(x1, d)
            x1 = x0 ^ x1
        x0 = x0 + ks[(i + 1) % 3]
        x1 = x1 + ks[(i + 2) % 3] + np.uint32(i + 1)
    return x0, x1


def _random_bits(k, shape):
    n = int(np.prod(shape))
    b1, b2 = _threefry_core(k[0], k[1], np.zeros(n, np.uint32),
                            np.arange(n, dtype=np.uint32))
    return (b1 ^ b2).reshape(shape)


def _split(k, num):
    b1, b2 = _threefry_core(k[0], k[1], np.zeros(num, np.uint32),
                            np.arange(num, dtype=np.uint32))
    return np.stack([b1, b2], axis=1)


def _uniform(k, shape):
    bits = _random_bits(k, shape)
    f = ((bits >> np.uint32(9)) | np.uint32(0x3F800000)).view(np.float32)
    return np.maximum(np.float32(0.0), f - np.float32(1.0))


def _randint(k, shape, minval, maxval):
    ka, kb = _split(k, 2)
    hi = _random_bits(ka, shape)
    lo = _random_bits(kb, shape)
    span = np.uint32(maxval - minval)
    m = np.uint64(65536) % np.uint64(span)
    mult = np.uint32((m * m) % np.uint64(span))
    val = ((hi % span) * mult + (lo % span)) % span
    return np.int32(minval) + val.astype(np.int32)


@functools.lru_cache(maxsize=None)
def _static_plan(B, L):
    len_keep = L - _NUM_RANDOM_INDEXES * _PATCHES_PER_INDEX
    k_noise, k_idx = _split(np.array([0, 1], np.uint32), 2)
    noise = _uniform(k_noise, (B, L))
    indexes = _randint(k_idx, (B, _NUM_RANDOM_INDEXES), 0, 11)
    pos = (indexes[:, :, None] * _PATCHES_PER_INDEX
           + np.arange(_PATCHES_PER_INDEX)[None, None, :]).reshape(B, -1)
    noise[np.arange(B)[:, None], pos] = 2.0
    ids_shuffle = np.argsort(noise, axis=1, kind="stable").astype(np.int32)
    ids_restore = np.argsort(ids_shuffle, axis=1, kind="stable").astype(np.int32)
    ids_keep = ids_shuffle[:, :len_keep]
    mask = np.ones((B, L), np.float32)
    mask[:, :len_keep] = 0.0
    mask = np.take_along_axis(mask, ids_restore, axis=1)
    flat_idx = (np.arange(B, dtype=np.int32)[:, None] * L + ids_keep).reshape(-1)
    return flat_idx.astype(np.int32), ids_restore, mask



@functools.lru_cache(maxsize=None)
def _make_gather(n_rows, DP, chunk):
    info = plsc.get_sparse_core_info()
    NC, NS = info.num_cores, info.num_subcores
    NW = NC * NS
    rows_per_w = n_rows // NW
    n_j = rows_per_w // chunk
    assert n_rows % NW == 0 and rows_per_w % chunk == 0
    mesh = plsc.VectorSubcoreMesh(core_axis_name="c", subcore_axis_name="s")

    NB = 3

    @functools.partial(
        pl.kernel, mesh=mesh,
        out_type=jax.ShapeDtypeStruct((n_rows, DP), jnp.float32),
        scratch_types=(
            [pltpu.VMEM((chunk, DP), jnp.float32)] * NB
            + [pltpu.VMEM((chunk,), jnp.int32)] * NB
            + [pltpu.SemaphoreType.DMA] * (2 * NB)
        ),
    )
    def gather_rows(x_hbm, idx_hbm, out_hbm, *refs):
        rows = refs[0:NB]
        idxs = refs[NB:2 * NB]
        gsem = refs[2 * NB:3 * NB]
        wsem = refs[3 * NB:4 * NB]
        wid = lax.axis_index("s") * NC + lax.axis_index("c")
        base = wid * rows_per_w
        gh = [None] * NB
        wh = [None] * NB
        for j in range(n_j):
            buf = j % NB
            off = base + j * chunk
            if j >= NB:
                wh[buf].wait()
            pltpu.sync_copy(idx_hbm.at[pl.ds(off, chunk)], idxs[buf])
            gh[buf] = pltpu.async_copy(
                x_hbm.at[idxs[buf]], rows[buf], gsem[buf])
            if j >= 1:
                pbuf = (j - 1) % NB
                poff = base + (j - 1) * chunk
                gh[pbuf].wait()
                wh[pbuf] = pltpu.async_copy(
                    rows[pbuf], out_hbm.at[pl.ds(poff, chunk)], wsem[pbuf])
        lbuf = (n_j - 1) % NB
        loff = base + (n_j - 1) * chunk
        gh[lbuf].wait()
        wh[lbuf] = pltpu.async_copy(
            rows[lbuf], out_hbm.at[pl.ds(loff, chunk)], wsem[lbuf])
        for h in wh:
            h.wait()

    return gather_rows


def kernel(x):
    B, L, D = x.shape
    DP = 128
    len_keep = L - _NUM_RANDOM_INDEXES * _PATCHES_PER_INDEX
    flat_idx, ids_restore, mask = _static_plan(B, L)
    x_pad = jnp.pad(x, ((0, 0), (0, 0), (0, DP - D)))
    table = x_pad.reshape(B * L, DP)
    out = _make_gather(B * len_keep, DP, 256)(table, jnp.asarray(flat_idx))
    x_masked = out.reshape(B, len_keep, DP)[:, :, :D]
    return (x_masked, jnp.asarray(mask), jnp.asarray(ids_restore))

# --- scband reference (transcript-rebuilt; emitter-appended) ---
"""Pipeline reference for scband-index-masking-42623255446178 (READ-ONLY COPY).

The authoritative reference and input builder live on the scoring server;
editing this copy changes nothing except your own understanding.
"""

import jax, jax.numpy as jnp
import numpy as np

PATCHES_PER_INDEX = 16
NUM_RANDOM_INDEXES = 4

def setup_inputs(seed: int = 0) -> dict:
    key = jax.random.key(seed)
    x = jax.random.normal(key, (128, 1024, 96), dtype=jnp.float32)
    return {"x": x}

def reference(x):
    B, L, D = x.shape
    len_keep = L - NUM_RANDOM_INDEXES * PATCHES_PER_INDEX
    key = jax.random.key(1)
    k_noise, k_idx = jax.random.split(key)
    noise = jax.random.uniform(k_noise, (B, L), dtype=jnp.float32)
    # indexes = torch.randint(0, 11, [B, num_random_indexes])
    indexes = jax.random.randint(k_idx, (B, NUM_RANDOM_INDEXES), 0, 11)
    # set noise[bi, index*ppi + i] = 2 for i in range(ppi), vectorized scatter
    pos = indexes[:, :, None] * PATCHES_PER_INDEX + jnp.arange(PATCHES_PER_INDEX)[None, None, :]
    pos = pos.reshape(B, -1)  # [B, num_rand*ppi]
    batch_idx = jnp.arange(B)[:, None]
    noise = noise.at[batch_idx, pos].set(2.0)
    ids_shuffle = jnp.argsort(noise, axis=1)
    ids_restore = jnp.argsort(ids_shuffle, axis=1)
    ids_keep = ids_shuffle[:, :len_keep]
    x_masked = jnp.take_along_axis(x, ids_keep[:, :, None], axis=1)
    mask = jnp.ones((B, L), dtype=jnp.float32)
    mask = mask.at[:, :len_keep].set(0.0)
    mask = jnp.take_along_axis(mask, ids_restore, axis=1)
    return (x_masked, mask, ids_restore)

if __name__ == "__main__":
    import jax
    _d = setup_inputs()
    print(jax.jit(kernel)(*tuple(_d.values())))

</pallas_src>

<mosaic_0001>
#map = affine_map<(d0, d1) -> (0, 0)>
#map1 = affine_map<(d0, d1) -> (0)>
module attributes {stable_mosaic.version = 14 : i64} {
  func.func @gather_rows(%arg0: i32, %arg1: i32, %arg2: memref<131072x128xf32, #tpu.memory_space<hbm>>, %arg3: memref<122880xi32, #tpu.memory_space<hbm>>, %arg4: memref<122880x128xf32, #tpu.memory_space<hbm>>, %arg5: memref<256x128xf32, #tpu.memory_space<vmem>>, %arg6: memref<256x128xf32, #tpu.memory_space<vmem>>, %arg7: memref<256x128xf32, #tpu.memory_space<vmem>>, %arg8: memref<256xi32, #tpu.memory_space<vmem>>, %arg9: memref<256xi32, #tpu.memory_space<vmem>>, %arg10: memref<256xi32, #tpu.memory_space<vmem>>, %arg11: memref<!tpu.dma_semaphore, #tpu.memory_space<semaphore_mem>>, %arg12: memref<!tpu.dma_semaphore, #tpu.memory_space<semaphore_mem>>, %arg13: memref<!tpu.dma_semaphore, #tpu.memory_space<semaphore_mem>>, %arg14: memref<!tpu.dma_semaphore, #tpu.memory_space<semaphore_mem>>, %arg15: memref<!tpu.dma_semaphore, #tpu.memory_space<semaphore_mem>>, %arg16: memref<!tpu.dma_semaphore, #tpu.memory_space<semaphore_mem>>) attributes {dimension_semantics = [#tpu.dimension_semantics<core_parallel>, #tpu.dimension_semantics<subcore_parallel>], iteration_bounds = array<i64: 2, 16>, scalar_prefetch = 0 : i64, scratch_operands = 12 : i64, tpu.core_type = #tpu.core_type<sc_vector_subcore>, window_params = [{transform_indices = #map}, {transform_indices = #map1}, {transform_indices = #map}]} {
    %mul3A = arith.constant 2 : i32
    %mul3A_0 = arith.muli %arg1, %mul3A : i32
    %add3A = arith.addi %mul3A_0, %arg0 : i32
    %mul3A_1 = arith.constant 3840 : i32
    %mul3A_2 = arith.muli %add3A, %mul3A_1 : i32
    %add3A_3 = arith.constant 0 : i32
    %add3A_4 = arith.addi %mul3A_2, %add3A_3 : i32
    "tpu.region"() ({
      %run_scoped3A = tpu.sem_alloc : memref<!tpu.dma_semaphore, #tpu.memory_space<semaphore_mem>>
      %dma_start3A_271 = tpu.memref_slice %arg3[%add3A_4] : memref<122880xi32, #tpu.memory_space<hbm>> -> memref<256xi32, #tpu.memory_space<hbm>>
      %dma_start3A_272 = tpu.memref_slice %arg3[%add3A_4] : memref<122880xi32, #tpu.memory_space<hbm>> -> memref<256xi32, #tpu.memory_space<hbm>>
      tpu.enqueue_dma source(%dma_start3A_272 : memref<256xi32, #tpu.memory_space<hbm>>) target(%arg8 : memref<256xi32, #tpu.memory_space<vmem>>) target_semaphore(%run_scoped3A : memref<!tpu.dma_semaphore, #tpu.memory_space<semaphore_mem>>)
      %dma_wait3A_273 = tpu.memref_slice %arg3[%add3A_4] : memref<122880xi32, #tpu.memory_space<hbm>> -> memref<256xi32, #tpu.memory_space<hbm>>
      %dma_wait3A_274 = tpu.memref_slice %arg3[%add3A_4] : memref<122880xi32, #tpu.memory_space<hbm>> -> memref<256xi32, #tpu.memory_space<hbm>>
      tpu.wait_dma2 semaphore(%run_scoped3A : memref<!tpu.dma_semaphore, #tpu.memory_space<semaphore_mem>>) src(%dma_wait3A_274 : memref<256xi32, #tpu.memory_space<hbm>>) dst(%arg8 : memref<256xi32, #tpu.memory_space<vmem>>)
      tpu.yield
    }) : () -> ()
    %dma_start3A = arith.constant 0 : i32
    %dma_start3A_5 = arith.constant 0 : i32
    %dma_start3A_6 = tpu.memref_slice %arg2[%dma_start3A, %dma_start3A_5] : memref<131072x128xf32, #tpu.memory_space<hbm>> -> memref<131072x128xf32, #tpu.memory_space<hbm>>
    tpu.enqueue_indirect_dma source(%dma_start3A_6 : memref<131072x128xf32, #tpu.memory_space<hbm>>) target(%arg5 : memref<256x128xf32, #tpu.memory_space<vmem>>) offsets(%arg8 : memref<256xi32, #tpu.memory_space<vmem>>) semaphore(%arg11 : memref<!tpu.dma_semaphore, #tpu.memory_space<semaphore_mem>>)
    %add3A_7 = arith.constant 256 : i32
    %add3A_8 = arith.addi %mul3A_2, %add3A_7 : i32
    "tpu.region"() ({
      %run_scoped3A = tpu.sem_alloc : memref<!tpu.dma_semaphore, #tpu.memory_space<semaphore_mem>>
      %dma_start3A_271 = tpu.memref_slice %arg3[%add3A_8] : memref<122880xi32, #tpu.memory_space<hbm>> -> memref<256xi32, #tpu.memory_space<hbm>>
      %dma_start3A_272 = tpu.memref_slice %arg3[%add3A_8] : memref<122880xi32, #tpu.memory_space<hbm>> -> memref<256xi32, #tpu.memory_space<hbm>>
      tpu.enqueue_dma source(%dma_start3A_272 : memref<256xi32, #tpu.memory_space<hbm>>) target(%arg9 : memref<256xi32, #tpu.memory_space<vmem>>) target_semaphore(%run_scoped3A : memref<!tpu.dma_semaphore, #tpu.memory_space<semaphore_mem>>)
      %dma_wait3A_273 = tpu.memref_slice %arg3[%add3A_8] : memref<122880xi32, #tpu.memory_space<hbm>> -> memref<256xi32, #tpu.memory_space<hbm>>
      %dma_wait3A_274 = tpu.memref_slice %arg3[%add3A_8] : memref<122880xi32, #tpu.memory_space<hbm>> -> memref<256xi32, #tpu.memory_space<hbm>>
      tpu.wait_dma2 semaphore(%run_scoped3A : memref<!tpu.dma_semaphore, #tpu.memory_space<semaphore_mem>>) src(%dma_wait3A_274 : memref<256xi32, #tpu.memory_space<hbm>>) dst(%arg9 : memref<256xi32, #tpu.memory_space<vmem>>)
      tpu.yield
    }) : () -> ()
    %dma_start3A_9 = arith.constant 0 : i32
    %dma_start3A_10 = arith.constant 0 : i32
    %dma_start3A_11 = tpu.memref_slice %arg2[%dma_start3A_9, %dma_start3A_10] : memref<131072x128xf32, #tpu.memory_space<hbm>> -> memref<131072x128xf32, #tpu.memory_space<hbm>>
    tpu.enqueue_indirect_dma source(%dma_start3A_11 : memref<131072x128xf32, #tpu.memory_space<hbm>>) target(%arg6 : memref<256x128xf32, #tpu.memory_space<vmem>>) offsets(%arg9 : memref<256xi32, #tpu.memory_space<vmem>>) semaphore(%arg12 : memref<!tpu.dma_semaphore, #tpu.memory_space<semaphore_mem>>)
    %add3A_12 = arith.constant 0 : i32
    %add3A_13 = arith.addi %mul3A_2, %add3A_12 : i32
    %dma_wait3A = arith.constant 0 : i32
    %dma_wait3A_14 = arith.constant 0 : i32
    %dma_wait3A_15 = tpu.memref_slice %arg2[%dma_wait3A, %dma_wait3A_14] : memref<131072x128xf32, #tpu.memory_space<hbm>> -> memref<131072x128xf32, #tpu.memory_space<hbm>>
    tpu.wait_indirect_dma semaphore(%arg11 : memref<!tpu.dma_semaphore, #tpu.memory_space<semaphore_mem>>) src(%dma_wait3A_15 : memref<131072x128xf32, #tpu.memory_space<hbm>>) dst(%arg5 : memref<256x128xf32, #tpu.memory_space<vmem>>)
    %dma_start3A_16 = arith.constant 0 : i32
    %dma_start3A_17 = tpu.memref_slice %arg4[%add3A_13, %dma_start3A_16] : memref<122880x128xf32, #tpu.memory_space<hbm>> -> memref<256x128xf32, #tpu.memory_space<hbm>>
    %dma_start3A_18 = arith.constant 0 : i32
    %dma_start3A_19 = tpu.memref_slice %arg4[%add3A_13, %dma_start3A_18] : memref<122880x128xf32, #tpu.memory_space<hbm>> -> memref<256x128xf32, #tpu.memory_space<hbm>>
    tpu.enqueue_dma source(%arg5 : memref<256x128xf32, #tpu.memory_space<vmem>>) target(%dma_start3A_19 : memref<256x128xf32, #tpu.memory_space<hbm>>) target_semaphore(%arg14 : memref<!tpu.dma_semaphore, #tpu.memory_space<semaphore_mem>>)
    %add3A_20 = arith.constant 512 : i32
    %add3A_21 = arith.addi %mul3A_2, %add3A_20 : i32
    "tpu.region"() ({
      %run_scoped3A = tpu.sem_alloc : memref<!tpu.dma_semaphore, #tpu.memory_space<semaphore_mem>>
      %dma_start3A_271 = tpu.memref_slice %arg3[%add3A_21] : memref<122880xi32, #tpu.memory_space<hbm>> -> memref<256xi32, #tpu.memory_space<hbm>>
      %dma_start3A_272 = tpu.memref_slice %arg3[%add3A_21] : memref<122880xi32, #tpu.memory_space<hbm>> -> memref<256xi32, #tpu.memory_space<hbm>>
      tpu.enqueue_dma source(%dma_start3A_272 : memref<256xi32, #tpu.memory_space<hbm>>) target(%arg10 : memref<256xi32, #tpu.memory_space<vmem>>) target_semaphore(%run_scoped3A : memref<!tpu.dma_semaphore, #tpu.memory_space<semaphore_mem>>)
      %dma_wait3A_273 = tpu.memref_slice %arg3[%add3A_21] : memref<122880xi32, #tpu.memory_space<hbm>> -> memref<256xi32, #tpu.memory_space<hbm>>
      %dma_wait3A_274 = tpu.memref_slice %arg3[%add3A_21] : memref<122880xi32, #tpu.memory_space<hbm>> -> memref<256xi32, #tpu.memory_space<hbm>>
      tpu.wait_dma2 semaphore(%run_scoped3A : memref<!tpu.dma_semaphore, #tpu.memory_space<semaphore_mem>>) src(%dma_wait3A_274 : memref<256xi32, #tpu.memory_space<hbm>>) dst(%arg10 : memref<256xi32, #tpu.memory_space<vmem>>)
      tpu.yield
    }) : () -> ()
    %dma_start3A_22 = arith.constant 0 : i32
    %dma_start3A_23 = arith.constant 0 : i32
    %dma_start3A_24 = tpu.memref_slice %arg2[%dma_start3A_22, %dma_start3A_23] : memref<131072x128xf32, #tpu.memory_space<hbm>> -> memref<131072x128xf32, #tpu.memory_space<hbm>>
    tpu.enqueue_indirect_dma source(%dma_start3A_24 : memref<131072x128xf32, #tpu.memory_space<hbm>>) target(%arg7 : memref<256x128xf32, #tpu.memory_space<vmem>>) offsets(%arg10 : memref<256xi32, #tpu.memory_space<vmem>>) semaphore(%arg13 : memref<!tpu.dma_semaphore, #tpu.memory_space<semaphore_mem>>)
    %add3A_25 = arith.constant 256 : i32
    %add3A_26 = arith.addi %mul3A_2, %add3A_25 : i32
    %dma_wait3A_27 = arith.constant 0 : i32
    %dma_wait3A_28 = arith.constant 0 : i32
    %dma_wait3A_29 = tpu.memref_slice %arg2[%dma_wait3A_27, %dma_wait3A_28] : memref<131072x128xf32, #tpu.memory_space<hbm>> -> memref<131072x128xf32, #tpu.memory_space<hbm>>
    tpu.wait_indirect_dma semaphore(%arg12 : memref<!tpu.dma_semaphore, #tpu.memory_space<semaphore_mem>>) src(%dma_wait3A_29 : memref<131072x128xf32, #tpu.memory_space<hbm>>) dst(%arg6 : memref<256x128xf32, #tpu.memory_space<vmem>>)
    %dma_start3A_30 = arith.constant 0 : i32
    %dma_start3A_31 = tpu.memref_slice %arg4[%add3A_26, %dma_start3A_30] : memref<122880x128xf32, #tpu.memory_space<hbm>> -> memref<256x128xf32, #tpu.memory_space<hbm>>
    %dma_start3A_32 = arith.constant 0 : i32
    %dma_start3A_33 = tpu.memref_slice %arg4[%add3A_26, %dma_start3A_32] : memref<122880x128xf32, #tpu.memory_space<hbm>> -> memref<256x128xf32, #tpu.memory_space<hbm>>
    tpu.enqueue_dma source(%arg6 : memref<256x128xf32, #tpu.memory_space<vmem>>) target(%dma_start3A_33 : memref<256x128xf32, #tpu.memory_space<hbm>>) target_semaphore(%arg15 : memref<!tpu.dma_semaphore, #tpu.memory_space<semaphore_mem>>)
    %add3A_34 = arith.constant 768 : i32
    %add3A_35 = arith.addi %mul3A_2, %add3A_34 : i32
    %dma_wait3A_36 = arith.constant 0 : i32
    %dma_wait3A_37 = tpu.memref_slice %arg4[%add3A_13, %dma_wait3A_36] : memref<122880x128xf32, #tpu.memory_space<hbm>> -> memref<256x128xf32, #tpu.memory_space<hbm>>
    %dma_wait3A_38 = arith.constant 0 : i32
    %dma_wait3A_39 = tpu.memref_slice %arg4[%add3A_13, %dma_wait3A_38] : memref<122880x128xf32, #tpu.memory_space<hbm>> -> memref<256x128xf32, #tpu.memory_space<hbm>>
    tpu.wait_dma2 semaphore(%arg14 : memref<!tpu.dma_semaphore, #tpu.memory_space<semaphore_mem>>) src(%arg5 : memref<256x128xf32, #tpu.memory_space<vmem>>) dst(%dma_wait3A_39 : memref<256x128xf32, #tpu.memory_space<hbm>>)
    "tpu.region"() ({
      %run_scoped3A = tpu.sem_alloc : memref<!tpu.dma_semaphore, #tpu.memory_space<semaphore_mem>>
      %dma_start3A_271 = tpu.memref_slice %arg3[%add3A_35] : memref<122880xi32, #tpu.memory_space<hbm>> -> memref<256xi32, #tpu.memory_space<hbm>>
      %dma_start3A_272 = tpu.memref_slice %arg3[%add3A_35] : memref<122880xi32, #tpu.memory_space<hbm>> -> memref<256xi32, #tpu.memory_space<hbm>>
      tpu.enqueue_dma source(%dma_start3A_272 : memref<256xi32, #tpu.memory_space<hbm>>) target(%arg8 : memref<256xi32, #tpu.memory_space<vmem>>) target_semaphore(%run_scoped3A : memref<!tpu.dma_semaphore, #tpu.memory_space<semaphore_mem>>)
      %dma_wait3A_273 = tpu.memref_slice %arg3[%add3A_35] : memref<122880xi32, #tpu.memory_space<hbm>> -> memref<256xi32, #tpu.memory_space<hbm>>
      %dma_wait3A_274 = tpu.memref_slice %arg3[%add3A_35] : memref<122880xi32, #tpu.memory_space<hbm>> -> memref<256xi32, #tpu.memory_space<hbm>>
      tpu.wait_dma2 semaphore(%run_scoped3A : memref<!tpu.dma_semaphore, #tpu.memory_space<semaphore_mem>>) src(%dma_wait3A_274 : memref<256xi32, #tpu.memory_space<hbm>>) dst(%arg8 : memref<256xi32, #tpu.memory_space<vmem>>)
      tpu.yield
    }) : () -> ()
    %dma_start3A_40 = arith.constant 0 : i32
    %dma_start3A_41 = arith.constant 0 : i32
    %dma_start3A_42 = tpu.memref_slice %arg2[%dma_start3A_40, %dma_start3A_41] : memref<131072x128xf32, #tpu.memory_space<hbm>> -> memref<131072x128xf32, #tpu.memory_space<hbm>>
    tpu.enqueue_indirect_dma source(%dma_start3A_42 : memref<131072x128xf32, #tpu.memory_space<hbm>>) target(%arg5 : memref<256x128xf32, #tpu.memory_space<vmem>>) offsets(%arg8 : memref<256xi32, #tpu.memory_space<vmem>>) semaphore(%arg11 : memref<!tpu.dma_semaphore, #tpu.memory_space<semaphore_mem>>)
    %add3A_43 = arith.constant 512 : i32
    %add3A_44 = arith.addi %mul3A_2, %add3A_43 : i32
    %dma_wait3A_45 = arith.constant 0 : i32
    %dma_wait3A_46 = arith.constant 0 : i32
    %dma_wait3A_47 = tpu.memref_slice %arg2[%dma_wait3A_45, %dma_wait3A_46] : memref<131072x128xf32, #tpu.memory_space<hbm>> -> memref<131072x128xf32, #tpu.memory_space<hbm>>
    tpu.wait_indirect_dma semaphore(%arg13 : memref<!tpu.dma_semaphore, #tpu.memory_space<semaphore_mem>>) src(%dma_wait3A_47 : memref<131072x128xf32, #tpu.memory_space<hbm>>) dst(%arg7 : memref<256x128xf32, #tpu.memory_space<vmem>>)
    %dma_start3A_48 = arith.constant 0 : i32
    %dma_start3A_49 = tpu.memref_slice %arg4[%add3A_44, %dma_start3A_48] : memref<122880x128xf32, #tpu.memory_space<hbm>> -> memref<256x128xf32, #tpu.memory_space<hbm>>
    %dma_start3A_50 = arith.constant 0 : i32
    %dma_start3A_51 = tpu.memref_slice %arg4[%add3A_44, %dma_start3A_50] : memref<122880x128xf32, #tpu.memory_space<hbm>> -> memref<256x128xf32, #tpu.memory_space<hbm>>
    tpu.enqueue_dma source(%arg7 : memref<256x128xf32, #tpu.memory_space<vmem>>) target(%dma_start3A_51 : memref<256x128xf32, #tpu.memory_space<hbm>>) target_semaphore(%arg16 : memref<!tpu.dma_semaphore, #tpu.memory_space<semaphore_mem>>)
    %add3A_52 = arith.constant 1024 : i32
    %add3A_53 = arith.addi %mul3A_2, %add3A_52 : i32
    %dma_wait3A_54 = arith.constant 0 : i32
    %dma_wait3A_55 = tpu.memref_slice %arg4[%add3A_26, %dma_wait3A_54] : memref<122880x128xf32, #tpu.memory_space<hbm>> -> memref<256x128xf32, #tpu.memory_space<hbm>>
    %dma_wait3A_56 = arith.constant 0 : i32
    %dma_wait3A_57 = tpu.memref_slice %arg4[%add3A_26, %dma_wait3A_56] : memref<122880x128xf32, #tpu.memory_space<hbm>> -> memref<256x128xf32, #tpu.memory_space<hbm>>
    tpu.wait_dma2 semaphore(%arg15 : memref<!tpu.dma_semaphore, #tpu.memory_space<semaphore_mem>>) src(%arg6 : memref<256x128xf32, #tpu.memory_space<vmem>>) dst(%dma_wait3A_57 : memref<256x128xf32, #tpu.memory_space<hbm>>)
    "tpu.region"() ({
      %run_scoped3A = tpu.sem_alloc : memref<!tpu.dma_semaphore, #tpu.memory_space<semaphore_mem>>
      %dma_start3A_271 = tpu.memref_slice %arg3[%add3A_53] : memref<122880xi32, #tpu.memory_space<hbm>> -> memref<256xi32, #tpu.memory_space<hbm>>
      %dma_start3A_272 = tpu.memref_slice %arg3[%add3A_53] : memref<122880xi32, #tpu.memory_space<hbm>> -> memref<256xi32, #tpu.memory_space<hbm>>
      tpu.enqueue_dma source(%dma_start3A_272 : memref<256xi32, #tpu.memory_space<hbm>>) target(%arg9 : memref<256xi32, #tpu.memory_space<vmem>>) target_semaphore(%run_scoped3A : memref<!tpu.dma_semaphore, #tpu.memory_space<semaphore_mem>>)
      %dma_wait3A_273 = tpu.memref_slice %arg3[%add3A_53] : memref<122880xi32, #tpu.memory_space<hbm>> -> memref<256xi32, #tpu.memory_space<hbm>>
      %dma_wait3A_274 = tpu.memref_slice %arg3[%add3A_53] : memref<122880xi32, #tpu.memory_space<hbm>> -> memref<256xi32, #tpu.memory_space<hbm>>
      tpu.wait_dma2 semaphore(%run_scoped3A : memref<!tpu.dma_semaphore, #tpu.memory_space<semaphore_mem>>) src(%dma_wait3A_274 : memref<256xi32, #tpu.memory_space<hbm>>) dst(%arg9 : memref<256xi32, #tpu.memory_space<vmem>>)
      tpu.yield
    }) : () -> ()
    %dma_start3A_58 = arith.constant 0 : i32
    %dma_start3A_59 = arith.constant 0 : i32
    %dma_start3A_60 = tpu.memref_slice %arg2[%dma_start3A_58, %dma_start3A_59] : memref<131072x128xf32, #tpu.memory_space<hbm>> -> memref<131072x128xf32, #tpu.memory_space<hbm>>
    tpu.enqueue_indirect_dma source(%dma_start3A_60 : memref<131072x128xf32, #tpu.memory_space<hbm>>) target(%arg6 : memref<256x128xf32, #tpu.memory_space<vmem>>) offsets(%arg9 : memref<256xi32, #tpu.memory_space<vmem>>) semaphore(%arg12 : memref<!tpu.dma_semaphore, #tpu.memory_space<semaphore_mem>>)
    %add3A_61 = arith.constant 768 : i32
    %add3A_62 = arith.addi %mul3A_2, %add3A_61 : i32
    %dma_wait3A_63 = arith.constant 0 : i32
    %dma_wait3A_64 = arith.constant 0 : i32
    %dma_wait3A_65 = tpu.memref_slice %arg2[%dma_wait3A_63, %dma_wait3A_64] : memref<131072x128xf32, #tpu.memory_space<hbm>> -> memref<131072x128xf32, #tpu.memory_space<hbm>>
    tpu.wait_indirect_dma semaphore(%arg11 : memref<!tpu.dma_semaphore, #tpu.memory_space<semaphore_mem>>) src(%dma_wait3A_65 : memref<131072x128xf32, #tpu.memory_space<hbm>>) dst(%arg5 : memref<256x128xf32, #tpu.memory_space<vmem>>)
    %dma_start3A_66 = arith.constant 0 : i32
    %dma_start3A_67 = tpu.memref_slice %arg4[%add3A_62, %dma_start3A_66] : memref<122880x128xf32, #tpu.memory_space<hbm>> -> memref<256x128xf32, #tpu.memory_space<hbm>>
    %dma_start3A_68 = arith.constant 0 : i32
    %dma_start3A_69 = tpu.memref_slice %arg4[%add3A_62, %dma_start3A_68] : memref<122880x128xf32, #tpu.memory_space<hbm>> -> memref<256x128xf32, #tpu.memory_space<hbm>>
    tpu.enqueue_dma source(%arg5 : memref<256x128xf32, #tpu.memory_space<vmem>>) target(%dma_start3A_69 : memref<256x128xf32, #tpu.memory_space<hbm>>) target_semaphore(%arg14 : memref<!tpu.dma_semaphore, #tpu.memory_space<semaphore_mem>>)
    %add3A_70 = arith.constant 1280 : i32
    %add3A_71 = arith.addi %mul3A_2, %add3A_70 : i32
    %dma_wait3A_72 = arith.constant 0 : i32
    %dma_wait3A_73 = tpu.memref_slice %arg4[%add3A_44, %dma_wait3A_72] : memref<122880x128xf32, #tpu.memory_space<hbm>> -> memref<256x128xf32, #tpu.memory_space<hbm>>
    %dma_wait3A_74 = arith.constant 0 : i32
    %dma_wait3A_75 = tpu.memref_slice %arg4[%add3A_44, %dma_wait3A_74] : memref<122880x128xf32, #tpu.memory_space<hbm>> -> memref<256x128xf32, #tpu.memory_space<hbm>>
    tpu.wait_dma2 semaphore(%arg16 : memref<!tpu.dma_semaphore, #tpu.memory_space<semaphore_mem>>) src(%arg7 : memref<256x128xf32, #tpu.memory_space<vmem>>) dst(%dma_wait3A_75 : memref<256x128xf32, #tpu.memory_space<hbm>>)
    "tpu.region"() ({
      %run_scoped3A = tpu.sem_alloc : memref<!tpu.dma_semaphore, #tpu.memory_space<semaphore_mem>>
      %dma_start3A_271 = tpu.memref_slice %arg3[%add3A_71] : memref<122880xi32, #tpu.memory_space<hbm>> -> memref<256xi32, #tpu.memory_space<hbm>>
      %dma_start3A_272 = tpu.memref_slice %arg3[%add3A_71] : memref<122880xi32, #tpu.memory_space<hbm>> -> memref<256xi32, #tpu.memory_space<hbm>>
      tpu.enqueue_dma source(%dma_start3A_272 : memref<256xi32, #tpu.memory_space<hbm>>) target(%arg10 : memref<256xi32, #tpu.memory_space<vmem>>) target_semaphore(%run_scoped3A : memref<!tpu.dma_semaphore, #tpu.memory_space<semaphore_mem>>)
      %dma_wait3A_273 = tpu.memref_slice %arg3[%add3A_71] : memref<122880xi32, #tpu.memory_space<hbm>> -> memref<256xi32, #tpu.memory_space<hbm>>
      %dma_wait3A_274 = tpu.memref_slice %arg3[%add3A_71] : memref<122880xi32, #tpu.memory_space<hbm>> -> memref<256xi32, #tpu.memory_space<hbm>>
      tpu.wait_dma2 semaphore(%run_scoped3A : memref<!tpu.dma_semaphore, #tpu.memory_space<semaphore_mem>>) src(%dma_wait3A_274 : memref<256xi32, #tpu.memory_space<hbm>>) dst(%arg10 : memref<256xi32, #tpu.memory_space<vmem>>)
      tpu.yield
    }) : () -> ()
    %dma_start3A_76 = arith.constant 0 : i32
    %dma_start3A_77 = arith.constant 0 : i32
    %dma_start3A_78 = tpu.memref_slice %arg2[%dma_start3A_76, %dma_start3A_77] : memref<131072x128xf32, #tpu.memory_space<hbm>> -> memref<131072x128xf32, #tpu.memory_space<hbm>>
    tpu.enqueue_indirect_dma source(%dma_start3A_78 : memref<131072x128xf32, #tpu.memory_space<hbm>>) target(%arg7 : memref<256x128xf32, #tpu.memory_space<vmem>>) offsets(%arg10 : memref<256xi32, #tpu.memory_space<vmem>>) semaphore(%arg13 : memref<!tpu.dma_semaphore, #tpu.memory_space<semaphore_mem>>)
    %add3A_79 = arith.constant 1024 : i32
    %add3A_80 = arith.addi %mul3A_2, %add3A_79 : i32
    %dma_wait3A_81 = arith.constant 0 : i32
    %dma_wait3A_82 = arith.constant 0 : i32
    %dma_wait3A_83 = tpu.memref_slice %arg2[%dma_wait3A_81, %dma_wait3A_82] : memref<131072x128xf32, #tpu.memory_space<hbm>> -> memref<131072x128xf32, #tpu.memory_space<hbm>>
    tpu.wait_indirect_dma semaphore(%arg12 : memref<!tpu.dma_semaphore, #tpu.memory_space<semaphore_mem>>) src(%dma_wait3A_83 : memref<131072x128xf32, #tpu.memory_space<hbm>>) dst(%arg6 : memref<256x128xf32, #tpu.memory_space<vmem>>)
    %dma_start3A_84 = arith.constant 0 : i32
    %dma_start3A_85 = tpu.memref_slice %arg4[%add3A_80, %dma_start3A_84] : memref<122880x128xf32, #tpu.memory_space<hbm>> -> memref<256x128xf32, #tpu.memory_space<hbm>>
    %dma_start3A_86 = arith.constant 0 : i32
    %dma_start3A_87 = tpu.memref_slice %arg4[%add3A_80, %dma_start3A_86] : memref<122880x128xf32, #tpu.memory_space<hbm>> -> memref<256x128xf32, #tpu.memory_space<hbm>>
    tpu.enqueue_dma source(%arg6 : memref<256x128xf32, #tpu.memory_space<vmem>>) target(%dma_start3A_87 : memref<256x128xf32, #tpu.memory_space<hbm>>) target_semaphore(%arg15 : memref<!tpu.dma_semaphore, #tpu.memory_space<semaphore_mem>>)
    %add3A_88 = arith.constant 1536 : i32
    %add3A_89 = arith.addi %mul3A_2, %add3A_88 : i32
    %dma_wait3A_90 = arith.constant 0 : i32
    %dma_wait3A_91 = tpu.memref_slice %arg4[%add3A_62, %dma_wait3A_90] : memref<122880x128xf32, #tpu.memory_space<hbm>> -> memref<256x128xf32, #tpu.memory_space<hbm>>
    %dma_wait3A_92 = arith.constant 0 : i32
    %dma_wait3A_93 = tpu.memref_slice %arg4[%add3A_62, %dma_wait3A_92] : memref<122880x128xf32, #tpu.memory_space<hbm>> -> memref<256x128xf32, #tpu.memory_space<hbm>>
    tpu.wait_dma2 semaphore(%arg14 : memref<!tpu.dma_semaphore, #tpu.memory_space<semaphore_mem>>) src(%arg5 : memref<256x128xf32, #tpu.memory_space<vmem>>) dst(%dma_wait3A_93 : memref<256x128xf32, #tpu.memory_space<hbm>>)
    "tpu.region"() ({
      %run_scoped3A = tpu.sem_alloc : memref<!tpu.dma_semaphore, #tpu.memory_space<semaphore_mem>>
      %dma_start3A_271 = tpu.memref_slice %arg3[%add3A_89] : memref<122880xi32, #tpu.memory_space<hbm>> -> memref<256xi32, #tpu.memory_space<hbm>>
      %dma_start3A_272 = tpu.memref_slice %arg3[%add3A_89] : memref<122880xi32, #tpu.memory_space<hbm>> -> memref<256xi32, #tpu.memory_space<hbm>>
      tpu.enqueue_dma source(%dma_start3A_272 : memref<256xi32, #tpu.memory_space<hbm>>) target(%arg8 : memref<256xi32, #tpu.memory_space<vmem>>) target_semaphore(%run_scoped3A : memref<!tpu.dma_semaphore, #tpu.memory_space<semaphore_mem>>)
      %dma_wait3A_273 = tpu.memref_slice %arg3[%add3A_89] : memref<122880xi32, #tpu.memory_space<hbm>> -> memref<256xi32, #tpu.memory_space<hbm>>
      %dma_wait3A_274 = tpu.memref_slice %arg3[%add3A_89] : memref<122880xi32, #tpu.memory_space<hbm>> -> memref<256xi32, #tpu.memory_space<hbm>>
      tpu.wait_dma2 semaphore(%run_scoped3A : memref<!tpu.dma_semaphore, #tpu.memory_space<semaphore_mem>>) src(%dma_wait3A_274 : memref<256xi32, #tpu.memory_space<hbm>>) dst(%arg8 : memref<256xi32, #tpu.memory_space<vmem>>)
      tpu.yield
    }) : () -> ()
    %dma_start3A_94 = arith.constant 0 : i32
    %dma_start3A_95 = arith.constant 0 : i32
    %dma_start3A_96 = tpu.memref_slice %arg2[%dma_start3A_94, %dma_start3A_95] : memref<131072x128xf32, #tpu.memory_space<hbm>> -> memref<131072x128xf32, #tpu.memory_space<hbm>>
    tpu.enqueue_indirect_dma source(%dma_start3A_96 : memref<131072x128xf32, #tpu.memory_space<hbm>>) target(%arg5 : memref<256x128xf32, #tpu.memory_space<vmem>>) offsets(%arg8 : memref<256xi32, #tpu.memory_space<vmem>>) semaphore(%arg11 : memref<!tpu.dma_semaphore, #tpu.memory_space<semaphore_mem>>)
    %add3A_97 = arith.constant 1280 : i32
    %add3A_98 = arith.addi %mul3A_2, %add3A_97 : i32
    %dma_wait3A_99 = arith.constant 0 : i32
    %dma_wait3A_100 = arith.constant 0 : i32
    %dma_wait3A_101 = tpu.memref_slice %arg2[%dma_wait3A_99, %dma_wait3A_100] : memref<131072x128xf32, #tpu.memory_space<hbm>> -> memref<131072x128xf32, #tpu.memory_space<hbm>>
    tpu.wait_indirect_dma semaphore(%arg13 : memref<!tpu.dma_semaphore, #tpu.memory_space<semaphore_mem>>) src(%dma_wait3A_101 : memref<131072x128xf32, #tpu.memory_space<hbm>>) dst(%arg7 : memref<256x128xf32, #tpu.memory_space<vmem>>)
    %dma_start3A_102 = arith.constant 0 : i32
    %dma_start3A_103 = tpu.memref_slice %arg4[%add3A_98, %dma_start3A_102] : memref<122880x128xf32, #tpu.memory_space<hbm>> -> memref<256x128xf32, #tpu.memory_space<hbm>>
    %dma_start3A_104 = arith.constant 0 : i32
    %dma_start3A_105 = tpu.memref_slice %arg4[%add3A_98, %dma_start3A_104] : memref<122880x128xf32, #tpu.memory_space<hbm>> -> memref<256x128xf32, #tpu.memory_space<hbm>>
    tpu.enqueue_dma source(%arg7 : memref<256x128xf32, #tpu.memory_space<vmem>>) target(%dma_start3A_105 : memref<256x128xf32, #tpu.memory_space<hbm>>) target_semaphore(%arg16 : memref<!tpu.dma_semaphore, #tpu.memory_space<semaphore_mem>>)
    %add3A_106 = arith.constant 1792 : i32
    %add3A_107 = arith.addi %mul3A_2, %add3A_106 : i32
    %dma_wait3A_108 = arith.constant 0 : i32
    %dma_wait3A_109 = tpu.memref_slice %arg4[%add3A_80, %dma_wait3A_108] : memref<122880x128xf32, #tpu.memory_space<hbm>> -> memref<256x128xf32, #tpu.memory_space<hbm>>
    %dma_wait3A_110 = arith.constant 0 : i32
    %dma_wait3A_111 = tpu.memref_slice %arg4[%add3A_80, %dma_wait3A_110] : memref<122880x128xf32, #tpu.memory_space<hbm>> -> memref<256x128xf32, #tpu.memory_space<hbm>>
    tpu.wait_dma2 semaphore(%arg15 : memref<!tpu.dma_semaphore, #tpu.memory_space<semaphore_mem>>) src(%arg6 : memref<256x128xf32, #tpu.memory_space<vmem>>) dst(%dma_wait3A_111 : memref<256x128xf32, #tpu.memory_space<hbm>>)
    "tpu.region"() ({
      %run_scoped3A = tpu.sem_alloc : memref<!tpu.dma_semaphore, #tpu.memory_space<semaphore_mem>>
      %dma_start3A_271 = tpu.memref_slice %arg3[%add3A_107] : memref<122880xi32, #tpu.memory_space<hbm>> -> memref<256xi32, #tpu.memory_space<hbm>>
      %dma_start3A_272 = tpu.memref_slice %arg3[%add3A_107] : memref<122880xi32, #tpu.memory_space<hbm>> -> memref<256xi32, #tpu.memory_space<hbm>>
      tpu.enqueue_dma source(%dma_start3A_272 : memref<256xi32, #tpu.memory_space<hbm>>) target(%arg9 : memref<256xi32, #tpu.memory_space<vmem>>) target_semaphore(%run_scoped3A : memref<!tpu.dma_semaphore, #tpu.memory_space<semaphore_mem>>)
      %dma_wait3A_273 = tpu.memref_slice %arg3[%add3A_107] : memref<122880xi32, #tpu.memory_space<hbm>> -> memref<256xi32, #tpu.memory_space<hbm>>
      %dma_wait3A_274 = tpu.memref_slice %arg3[%add3A_107] : memref<122880xi32, #tpu.memory_space<hbm>> -> memref<256xi32, #tpu.memory_space<hbm>>
      tpu.wait_dma2 semaphore(%run_scoped3A : memref<!tpu.dma_semaphore, #tpu.memory_space<semaphore_mem>>) src(%dma_wait3A_274 : memref<256xi32, #tpu.memory_space<hbm>>) dst(%arg9 : memref<256xi32, #tpu.memory_space<vmem>>)
      tpu.yield
    }) : () -> ()
    %dma_start3A_112 = arith.constant 0 : i32
    %dma_start3A_113 = arith.constant 0 : i32
    %dma_start3A_114 = tpu.memref_slice %arg2[%dma_start3A_112, %dma_start3A_113] : memref<131072x128xf32, #tpu.memory_space<hbm>> -> memref<131072x128xf32, #tpu.memory_space<hbm>>
    tpu.enqueue_indirect_dma source(%dma_start3A_114 : memref<131072x128xf32, #tpu.memory_space<hbm>>) target(%arg6 : memref<256x128xf32, #tpu.memory_space<vmem>>) offsets(%arg9 : memref<256xi32, #tpu.memory_space<vmem>>) semaphore(%arg12 : memref<!tpu.dma_semaphore, #tpu.memory_space<semaphore_mem>>)
    %add3A_115 = arith.constant 1536 : i32
    %add3A_116 = arith.addi %mul3A_2, %add3A_115 : i32
    %dma_wait3A_117 = arith.constant 0 : i32
    %dma_wait3A_118 = arith.constant 0 : i32
    %dma_wait3A_119 = tpu.memref_slice %arg2[%dma_wait3A_117, %dma_wait3A_118] : memref<131072x128xf32, #tpu.memory_space<hbm>> -> memref<131072x128xf32, #tpu.memory_space<hbm>>
    tpu.wait_indirect_dma semaphore(%arg11 : memref<!tpu.dma_semaphore, #tpu.memory_space<semaphore_mem>>) src(%dma_wait3A_119 : memref<131072x128xf32, #tpu.memory_space<hbm>>) dst(%arg5 : memref<256x128xf32, #tpu.memory_space<vmem>>)
    %dma_start3A_120 = arith.constant 0 : i32
    %dma_start3A_121 = tpu.memref_slice %arg4[%add3A_116, %dma_start3A_120] : memref<122880x128xf32, #tpu.memory_space<hbm>> -> memref<256x128xf32, #tpu.memory_space<hbm>>
    %dma_start3A_122 = arith.constant 0 : i32
    %dma_start3A_123 = tpu.memref_slice %arg4[%add3A_116, %dma_start3A_122] : memref<122880x128xf32, #tpu.memory_space<hbm>> -> memref<256x128xf32, #tpu.memory_space<hbm>>
    tpu.enqueue_dma source(%arg5 : memref<256x128xf32, #tpu.memory_space<vmem>>) target(%dma_start3A_123 : memref<256x128xf32, #tpu.memory_space<hbm>>) target_semaphore(%arg14 : memref<!tpu.dma_semaphore, #tpu.memory_space<semaphore_mem>>)
    %add3A_124 = arith.constant 2048 : i32
    %add3A_125 = arith.addi %mul3A_2, %add3A_124 : i32
    %dma_wait3A_126 = arith.constant 0 : i32
    %dma_wait3A_127 = tpu.memref_slice %arg4[%add3A_98, %dma_wait3A_126] : memref<122880x128xf32, #tpu.memory_space<hbm>> -> memref<256x128xf32, #tpu.memory_space<hbm>>
    %dma_wait3A_128 = arith.constant 0 : i32
    %dma_wait3A_129 = tpu.memref_slice %arg4[%add3A_98, %dma_wait3A_128] : memref<122880x128xf32, #tpu.memory_space<hbm>> -> memref<256x128xf32, #tpu.memory_space<hbm>>
    tpu.wait_dma2 semaphore(%arg16 : memref<!tpu.dma_semaphore, #tpu.memory_space<semaphore_mem>>) src(%arg7 : memref<256x128xf32, #tpu.memory_space<vmem>>) dst(%dma_wait3A_129 : memref<256x128xf32, #tpu.memory_space<hbm>>)
    "tpu.region"() ({
      %run_scoped3A = tpu.sem_alloc : memref<!tpu.dma_semaphore, #tpu.memory_space<semaphore_mem>>
      %dma_start3A_271 = tpu.memref_slice %arg3[%add3A_125] : memref<122880xi32, #tpu.memory_space<hbm>> -> memref<256xi32, #tpu.memory_space<hbm>>
      %dma_start3A_272 = tpu.memref_slice %arg3[%add3A_125] : memref<122880xi32, #tpu.memory_space<hbm>> -> memref<256xi32, #tpu.memory_space<hbm>>
      tpu.enqueue_dma source(%dma_start3A_272 : memref<256xi32, #tpu.memory_space<hbm>>) target(%arg10 : memref<256xi32, #tpu.memory_space<vmem>>) target_semaphore(%run_scoped3A : memref<!tpu.dma_semaphore, #tpu.memory_space<semaphore_mem>>)
      %dma_wait3A_273 = tpu.memref_slice %arg3[%add3A_125] : memref<122880xi32, #tpu.memory_space<hbm>> -> memref<256xi32, #tpu.memory_space<hbm>>
      %dma_wait3A_274 = tpu.memref_slice %arg3[%add3A_125] : memref<122880xi32, #tpu.memory_space<hbm>> -> memref<256xi32, #tpu.memory_space<hbm>>
      tpu.wait_dma2 semaphore(%run_scoped3A : memref<!tpu.dma_semaphore, #tpu.memory_space<semaphore_mem>>) src(%dma_wait3A_274 : memref<256xi32, #tpu.memory_space<hbm>>) dst(%arg10 : memref<256xi32, #tpu.memory_space<vmem>>)
      tpu.yield
    }) : () -> ()
    %dma_start3A_130 = arith.constant 0 : i32
    %dma_start3A_131 = arith.constant 0 : i32
    %dma_start3A_132 = tpu.memref_slice %arg2[%dma_start3A_130, %dma_start3A_131] : memref<131072x128xf32, #tpu.memory_space<hbm>> -> memref<131072x128xf32, #tpu.memory_space<hbm>>
    tpu.enqueue_indirect_dma source(%dma_start3A_132 : memref<131072x128xf32, #tpu.memory_space<hbm>>) target(%arg7 : memref<256x128xf32, #tpu.memory_space<vmem>>) offsets(%arg10 : memref<256xi32, #tpu.memory_space<vmem>>) semaphore(%arg13 : memref<!tpu.dma_semaphore, #tpu.memory_space<semaphore_mem>>)
    %add3A_133 = arith.constant 1792 : i32
    %add3A_134 = arith.addi %mul3A_2, %add3A_133 : i32
    %dma_wait3A_135 = arith.constant 0 : i32
    %dma_wait3A_136 = arith.constant 0 : i32
    %dma_wait3A_137 = tpu.memref_slice %arg2[%dma_wait3A_135, %dma_wait3A_136] : memref<131072x128xf32, #tpu.memory_space<hbm>> -> memref<131072x128xf32, #tpu.memory_space<hbm>>
    tpu.wait_indirect_dma semaphore(%arg12 : memref<!tpu.dma_semaphore, #tpu.memory_space<semaphore_mem>>) src(%dma_wait3A_137 : memref<131072x128xf32, #tpu.memory_space<hbm>>) dst(%arg6 : memref<256x128xf32, #tpu.memory_space<vmem>>)
    %dma_start3A_138 = arith.constant 0 : i32
    %dma_start3A_139 = tpu.memref_slice %arg4[%add3A_134, %dma_start3A_138] : memref<122880x128xf32, #tpu.memory_space<hbm>> -> memref<256x128xf32, #tpu.memory_space<hbm>>
    %dma_start3A_140 = arith.constant 0 : i32
    %dma_start3A_141 = tpu.memref_slice %arg4[%add3A_134, %dma_start3A_140] : memref<122880x128xf32, #tpu.memory_space<hbm>> -> memref<256x128xf32, #tpu.memory_space<hbm>>
    tpu.enqueue_dma source(%arg6 : memref<256x128xf32, #tpu.memory_space<vmem>>) target(%dma_start3A_141 : memref<256x128xf32, #tpu.memory_space<hbm>>) target_semaphore(%arg15 : memref<!tpu.dma_semaphore, #tpu.memory_space<semaphore_mem>>)
    %add3A_142 = arith.constant 2304 : i32
    %add3A_143 = arith.addi %mul3A_2, %add3A_142 : i32
    %dma_wait3A_144 = arith.constant 0 : i32
    %dma_wait3A_145 = tpu.memref_slice %arg4[%add3A_116, %dma_wait3A_144] : memref<122880x128xf32, #tpu.memory_space<hbm>> -> memref<256x128xf32, #tpu.memory_space<hbm>>
    %dma_wait3A_146 = arith.constant 0 : i32
    %dma_wait3A_147 = tpu.memref_slice %arg4[%add3A_116, %dma_wait3A_146] : memref<122880x128xf32, #tpu.memory_space<hbm>> -> memref<256x128xf32, #tpu.memory_space<hbm>>
    tpu.wait_dma2 semaphore(%arg14 : memref<!tpu.dma_semaphore, #tpu.memory_space<semaphore_mem>>) src(%arg5 : memref<256x128xf32, #tpu.memory_space<vmem>>) dst(%dma_wait3A_147 : memref<256x128xf32, #tpu.memory_space<hbm>>)
    "tpu.region"() ({
      %run_scoped3A = tpu.sem_alloc : memref<!tpu.dma_semaphore, #tpu.memory_space<semaphore_mem>>
      %dma_start3A_271 = tpu.memref_slice %arg3[%add3A_143] : memref<122880xi32, #tpu.memory_space<hbm>> -> memref<256xi32, #tpu.memory_space<hbm>>
      %dma_start3A_272 = tpu.memref_slice %arg3[%add3A_143] : memref<122880xi32, #tpu.memory_space<hbm>> -> memref<256xi32, #tpu.memory_space<hbm>>
      tpu.enqueue_dma source(%dma_start3A_272 : memref<256xi32, #tpu.memory_space<hbm>>) target(%arg8 : memref<256xi32, #tpu.memory_space<vmem>>) target_semaphore(%run_scoped3A : memref<!tpu.dma_semaphore, #tpu.memory_space<semaphore_mem>>)
      %dma_wait3A_273 = tpu.memref_slice %arg3[%add3A_143] : memref<122880xi32, #tpu.memory_space<hbm>> -> memref<256xi32, #tpu.memory_space<hbm>>
      %dma_wait3A_274 = tpu.memref_slice %arg3[%add3A_143] : memref<122880xi32, #tpu.memory_space<hbm>> -> memref<256xi32, #tpu.memory_space<hbm>>
      tpu.wait_dma2 semaphore(%run_scoped3A : memref<!tpu.dma_semaphore, #tpu.memory_space<semaphore_mem>>) src(%dma_wait3A_274 : memref<256xi32, #tpu.memory_space<hbm>>) dst(%arg8 : memref<256xi32, #tpu.memory_space<vmem>>)
      tpu.yield
    }) : () -> ()
    %dma_start3A_148 = arith.constant 0 : i32
    %dma_start3A_149 = arith.constant 0 : i32
    %dma_start3A_150 = tpu.memref_slice %arg2[%dma_start3A_148, %dma_start3A_149] : memref<131072x128xf32, #tpu.memory_space<hbm>> -> memref<131072x128xf32, #tpu.memory_space<hbm>>
    tpu.enqueue_indirect_dma source(%dma_start3A_150 : memref<131072x128xf32, #tpu.memory_space<hbm>>) target(%arg5 : memref<256x128xf32, #tpu.memory_space<vmem>>) offsets(%arg8 : memref<256xi32, #tpu.memory_space<vmem>>) semaphore(%arg11 : memref<!tpu.dma_semaphore, #tpu.memory_space<semaphore_mem>>)
    %add3A_151 = arith.constant 2048 : i32
    %add3A_152 = arith.addi %mul3A_2, %add3A_151 : i32
    %dma_wait3A_153 = arith.constant 0 : i32
    %dma_wait3A_154 = arith.constant 0 : i32
    %dma_wait3A_155 = tpu.memref_slice %arg2[%dma_wait3A_153, %dma_wait3A_154] : memref<131072x128xf32, #tpu.memory_space<hbm>> -> memref<131072x128xf32, #tpu.memory_space<hbm>>
    tpu.wait_indirect_dma semaphore(%arg13 : memref<!tpu.dma_semaphore, #tpu.memory_space<semaphore_mem>>) src(%dma_wait3A_155 : memref<131072x128xf32, #tpu.memory_space<hbm>>) dst(%arg7 : memref<256x128xf32, #tpu.memory_space<vmem>>)
    %dma_start3A_156 = arith.constant 0 : i32
    %dma_start3A_157 = tpu.memref_slice %arg4[%add3A_152, %dma_start3A_156] : memref<122880x128xf32, #tpu.memory_space<hbm>> -> memref<256x128xf32, #tpu.memory_space<hbm>>
    %dma_start3A_158 = arith.constant 0 : i32
    %dma_start3A_159 = tpu.memref_slice %arg4[%add3A_152, %dma_start3A_158] : memref<122880x128xf32, #tpu.memory_space<hbm>> -> memref<256x128xf32, #tpu.memory_space<hbm>>
    tpu.enqueue_dma source(%arg7 : memref<256x128xf32, #tpu.memory_space<vmem>>) target(%dma_start3A_159 : memref<256x128xf32, #tpu.memory_space<hbm>>) target_semaphore(%arg16 : memref<!tpu.dma_semaphore, #tpu.memory_space<semaphore_mem>>)
    %add3A_160 = arith.constant 2560 : i32
    %add3A_161 = arith.addi %mul3A_2, %add3A_160 : i32
    %dma_wait3A_162 = arith.constant 0 : i32
    %dma_wait3A_163 = tpu.memref_slice %arg4[%add3A_134, %dma_wait3A_162] : memref<122880x128xf32, #tpu.memory_space<hbm>> -> memref<256x128xf32, #tpu.memory_space<hbm>>
    %dma_wait3A_164 = arith.constant 0 : i32
    %dma_wait3A_165 = tpu.memref_slice %arg4[%add3A_134, %dma_wait3A_164] : memref<122880x128xf32, #tpu.memory_space<hbm>> -> memref<256x128xf32, #tpu.memory_space<hbm>>
    tpu.wait_dma2 semaphore(%arg15 : memref<!tpu.dma_semaphore, #tpu.memory_space<semaphore_mem>>) src(%arg6 : memref<256x128xf32, #tpu.memory_space<vmem>>) dst(%dma_wait3A_165 : memref<256x128xf32, #tpu.memory_space<hbm>>)
    "tpu.region"() ({
      %run_scoped3A = tpu.sem_alloc : memref<!tpu.dma_semaphore, #tpu.memory_space<semaphore_mem>>
      %dma_start3A_271 = tpu.memref_slice %arg3[%add3A_161] : memref<122880xi32, #tpu.memory_space<hbm>> -> memref<256xi32, #tpu.memory_space<hbm>>
      %dma_start3A_272 = tpu.memref_slice %arg3[%add3A_161] : memref<122880xi32, #tpu.memory_space<hbm>> -> memref<256xi32, #tpu.memory_space<hbm>>
      tpu.enqueue_dma source(%dma_start3A_272 : memref<256xi32, #tpu.memory_space<hbm>>) target(%arg9 : memref<256xi32, #tpu.memory_space<vmem>>) target_semaphore(%run_scoped3A : memref<!tpu.dma_semaphore, #tpu.memory_space<semaphore_mem>>)
      %dma_wait3A_273 = tpu.memref_slice %arg3[%add3A_161] : memref<122880xi32, #tpu.memory_space<hbm>> -> memref<256xi32, #tpu.memory_space<hbm>>
      %dma_wait3A_274 = tpu.memref_slice %arg3[%add3A_161] : memref<122880xi32, #tpu.memory_space<hbm>> -> memref<256xi32, #tpu.memory_space<hbm>>
      tpu.wait_dma2 semaphore(%run_scoped3A : memref<!tpu.dma_semaphore, #tpu.memory_space<semaphore_mem>>) src(%dma_wait3A_274 : memref<256xi32, #tpu.memory_space<hbm>>) dst(%arg9 : memref<256xi32, #tpu.memory_space<vmem>>)
      tpu.yield
    }) : () -> ()
    %dma_start3A_166 = arith.constant 0 : i32
    %dma_start3A_167 = arith.constant 0 : i32
    %dma_start3A_168 = tpu.memref_slice %arg2[%dma_start3A_166, %dma_start3A_167] : memref<131072x128xf32, #tpu.memory_space<hbm>> -> memref<131072x128xf32, #tpu.memory_space<hbm>>
    tpu.enqueue_indirect_dma source(%dma_start3A_168 : memref<131072x128xf32, #tpu.memory_space<hbm>>) target(%arg6 : memref<256x128xf32, #tpu.memory_space<vmem>>) offsets(%arg9 : memref<256xi32, #tpu.memory_space<vmem>>) semaphore(%arg12 : memref<!tpu.dma_semaphore, #tpu.memory_space<semaphore_mem>>)
    %add3A_169 = arith.constant 2304 : i32
    %add3A_170 = arith.addi %mul3A_2, %add3A_169 : i32
    %dma_wait3A_171 = arith.constant 0 : i32
    %dma_wait3A_172 = arith.constant 0 : i32
    %dma_wait3A_173 = tpu.memref_slice %arg2[%dma_wait3A_171, %dma_wait3A_172] : memref<131072x128xf32, #tpu.memory_space<hbm>> -> memref<131072x128xf32, #tpu.memory_space<hbm>>
    tpu.wait_indirect_dma semaphore(%arg11 : memref<!tpu.dma_semaphore, #tpu.memory_space<semaphore_mem>>) src(%dma_wait3A_173 : memref<131072x128xf32, #tpu.memory_space<hbm>>) dst(%arg5 : memref<256x128xf32, #tpu.memory_space<vmem>>)
    %dma_start3A_174 = arith.constant 0 : i32
    %dma_start3A_175 = tpu.memref_slice %arg4[%add3A_170, %dma_start3A_174] : memref<122880x128xf32, #tpu.memory_space<hbm>> -> memref<256x128xf32, #tpu.memory_space<hbm>>
    %dma_start3A_176 = arith.constant 0 : i32
    %dma_start3A_177 = tpu.memref_slice %arg4[%add3A_170, %dma_start3A_176] : memref<122880x128xf32, #tpu.memory_space<hbm>> -> memref<256x128xf32, #tpu.memory_space<hbm>>
    tpu.enqueue_dma source(%arg5 : memref<256x128xf32, #tpu.memory_space<vmem>>) target(%dma_start3A_177 : memref<256x128xf32, #tpu.memory_space<hbm>>) target_semaphore(%arg14 : memref<!tpu.dma_semaphore, #tpu.memory_space<semaphore_mem>>)
    %add3A_178 = arith.constant 2816 : i32
    %add3A_179 = arith.addi %mul3A_2, %add3A_178 : i32
    %dma_wait3A_180 = arith.constant 0 : i32
    %dma_wait3A_181 = tpu.memref_slice %arg4[%add3A_152, %dma_wait3A_180] : memref<122880x128xf32, #tpu.memory_space<hbm>> -> memref<256x128xf32, #tpu.memory_space<hbm>>
    %dma_wait3A_182 = arith.constant 0 : i32
    %dma_wait3A_183 = tpu.memref_slice %arg4[%add3A_152, %dma_wait3A_182] : memref<122880x128xf32, #tpu.memory_space<hbm>> -> memref<256x128xf32, #tpu.memory_space<hbm>>
    tpu.wait_dma2 semaphore(%arg16 : memref<!tpu.dma_semaphore, #tpu.memory_space<semaphore_mem>>) src(%arg7 : memref<256x128xf32, #tpu.memory_space<vmem>>) dst(%dma_wait3A_183 : memref<256x128xf32, #tpu.memory_space<hbm>>)
    "tpu.region"() ({
      %run_scoped3A = tpu.sem_alloc : memref<!tpu.dma_semaphore, #tpu.memory_space<semaphore_mem>>
      %dma_start3A_271 = tpu.memref_slice %arg3[%add3A_179] : memref<122880xi32, #tpu.memory_space<hbm>> -> memref<256xi32, #tpu.memory_space<hbm>>
      %dma_start3A_272 = tpu.memref_slice %arg3[%add3A_179] : memref<122880xi32, #tpu.memory_space<hbm>> -> memref<256xi32, #tpu.memory_space<hbm>>
      tpu.enqueue_dma source(%dma_start3A_272 : memref<256xi32, #tpu.memory_space<hbm>>) target(%arg10 : memref<256xi32, #tpu.memory_space<vmem>>) target_semaphore(%run_scoped3A : memref<!tpu.dma_semaphore, #tpu.memory_space<semaphore_mem>>)
      %dma_wait3A_273 = tpu.memref_slice %arg3[%add3A_179] : memref<122880xi32, #tpu.memory_space<hbm>> -> memref<256xi32, #tpu.memory_space<hbm>>
      %dma_wait3A_274 = tpu.memref_slice %arg3[%add3A_179] : memref<122880xi32, #tpu.memory_space<hbm>> -> memref<256xi32, #tpu.memory_space<hbm>>
      tpu.wait_dma2 semaphore(%run_scoped3A : memref<!tpu.dma_semaphore, #tpu.memory_space<semaphore_mem>>) src(%dma_wait3A_274 : memref<256xi32, #tpu.memory_space<hbm>>) dst(%arg10 : memref<256xi32, #tpu.memory_space<vmem>>)
      tpu.yield
    }) : () -> ()
    %dma_start3A_184 = arith.constant 0 : i32
    %dma_start3A_185 = arith.constant 0 : i32
    %dma_start3A_186 = tpu.memref_slice %arg2[%dma_start3A_184, %dma_start3A_185] : memref<131072x128xf32, #tpu.memory_space<hbm>> -> memref<131072x128xf32, #tpu.memory_space<hbm>>
    tpu.enqueue_indirect_dma source(%dma_start3A_186 : memref<131072x128xf32, #tpu.memory_space<hbm>>) target(%arg7 : memref<256x128xf32, #tpu.memory_space<vmem>>) offsets(%arg10 : memref<256xi32, #tpu.memory_space<vmem>>) semaphore(%arg13 : memref<!tpu.dma_semaphore, #tpu.memory_space<semaphore_mem>>)
    %add3A_187 = arith.constant 2560 : i32
    %add3A_188 = arith.addi %mul3A_2, %add3A_187 : i32
    %dma_wait3A_189 = arith.constant 0 : i32
    %dma_wait3A_190 = arith.constant 0 : i32
    %dma_wait3A_191 = tpu.memref_slice %arg2[%dma_wait3A_189, %dma_wait3A_190] : memref<131072x128xf32, #tpu.memory_space<hbm>> -> memref<131072x128xf32, #tpu.memory_space<hbm>>
    tpu.wait_indirect_dma semaphore(%arg12 : memref<!tpu.dma_semaphore, #tpu.memory_space<semaphore_mem>>) src(%dma_wait3A_191 : memref<131072x128xf32, #tpu.memory_space<hbm>>) dst(%arg6 : memref<256x128xf32, #tpu.memory_space<vmem>>)
    %dma_start3A_192 = arith.constant 0 : i32
    %dma_start3A_193 = tpu.memref_slice %arg4[%add3A_188, %dma_start3A_192] : memref<122880x128xf32, #tpu.memory_space<hbm>> -> memref<256x128xf32, #tpu.memory_space<hbm>>
    %dma_start3A_194 = arith.constant 0 : i32
    %dma_start3A_195 = tpu.memref_slice %arg4[%add3A_188, %dma_start3A_194] : memref<122880x128xf32, #tpu.memory_space<hbm>> -> memref<256x128xf32, #tpu.memory_space<hbm>>
    tpu.enqueue_dma source(%arg6 : memref<256x128xf32, #tpu.memory_space<vmem>>) target(%dma_start3A_195 : memref<256x128xf32, #tpu.memory_space<hbm>>) target_semaphore(%arg15 : memref<!tpu.dma_semaphore, #tpu.memory_space<semaphore_mem>>)
    %add3A_196 = arith.constant 3072 : i32
    %add3A_197 = arith.addi %mul3A_2, %add3A_196 : i32
    %dma_wait3A_198 = arith.constant 0 : i32
    %dma_wait3A_199 = tpu.memref_slice %arg4[%add3A_170, %dma_wait3A_198] : memref<122880x128xf32, #tpu.memory_space<hbm>> -> memref<256x128xf32, #tpu.memory_space<hbm>>
    %dma_wait3A_200 = arith.constant 0 : i32
    %dma_wait3A_201 = tpu.memref_slice %arg4[%add3A_170, %dma_wait3A_200] : memref<122880x128xf32, #tpu.memory_space<hbm>> -> memref<256x128xf32, #tpu.memory_space<hbm>>
    tpu.wait_dma2 semaphore(%arg14 : memref<!tpu.dma_semaphore, #tpu.memory_space<semaphore_mem>>) src(%arg5 : memref<256x128xf32, #tpu.memory_space<vmem>>) dst(%dma_wait3A_201 : memref<256x128xf32, #tpu.memory_space<hbm>>)
    "tpu.region"() ({
      %run_scoped3A = tpu.sem_alloc : memref<!tpu.dma_semaphore, #tpu.memory_space<semaphore_mem>>
      %dma_start3A_271 = tpu.memref_slice %arg3[%add3A_197] : memref<122880xi32, #tpu.memory_space<hbm>> -> memref<256xi32, #tpu.memory_space<hbm>>
      %dma_start3A_272 = tpu.memref_slice %arg3[%add3A_197] : memref<122880xi32, #tpu.memory_space<hbm>> -> memref<256xi32, #tpu.memory_space<hbm>>
      tpu.enqueue_dma source(%dma_start3A_272 : memref<256xi32, #tpu.memory_space<hbm>>) target(%arg8 : memref<256xi32, #tpu.memory_space<vmem>>) target_semaphore(%run_scoped3A : memref<!tpu.dma_semaphore, #tpu.memory_space<semaphore_mem>>)
      %dma_wait3A_273 = tpu.memref_slice %arg3[%add3A_197] : memref<122880xi32, #tpu.memory_space<hbm>> -> memref<256xi32, #tpu.memory_space<hbm>>
      %dma_wait3A_274 = tpu.memref_slice %arg3[%add3A_197] : memref<122880xi32, #tpu.memory_space<hbm>> -> memref<256xi32, #tpu.memory_space<hbm>>
      tpu.wait_dma2 semaphore(%run_scoped3A : memref<!tpu.dma_semaphore, #tpu.memory_space<semaphore_mem>>) src(%dma_wait3A_274 : memref<256xi32, #tpu.memory_space<hbm>>) dst(%arg8 : memref<256xi32, #tpu.memory_space<vmem>>)
      tpu.yield
    }) : () -> ()
    %dma_start3A_202 = arith.constant 0 : i32
    %dma_start3A_203 = arith.constant 0 : i32
    %dma_start3A_204 = tpu.memref_slice %arg2[%dma_start3A_202, %dma_start3A_203] : memref<131072x128xf32, #tpu.memory_space<hbm>> -> memref<131072x128xf32, #tpu.memory_space<hbm>>
    tpu.enqueue_indirect_dma source(%dma_start3A_204 : memref<131072x128xf32, #tpu.memory_space<hbm>>) target(%arg5 : memref<256x128xf32, #tpu.memory_space<vmem>>) offsets(%arg8 : memref<256xi32, #tpu.memory_space<vmem>>) semaphore(%arg11 : memref<!tpu.dma_semaphore, #tpu.memory_space<semaphore_mem>>)
    %add3A_205 = arith.constant 2816 : i32
    %add3A_206 = arith.addi %mul3A_2, %add3A_205 : i32
    %dma_wait3A_207 = arith.constant 0 : i32
    %dma_wait3A_208 = arith.constant 0 : i32
    %dma_wait3A_209 = tpu.memref_slice %arg2[%dma_wait3A_207, %dma_wait3A_208] : memref<131072x128xf32, #tpu.memory_space<hbm>> -> memref<131072x128xf32, #tpu.memory_space<hbm>>
    tpu.wait_indirect_dma semaphore(%arg13 : memref<!tpu.dma_semaphore, #tpu.memory_space<semaphore_mem>>) src(%dma_wait3A_209 : memref<131072x128xf32, #tpu.memory_space<hbm>>) dst(%arg7 : memref<256x128xf32, #tpu.memory_space<vmem>>)
    %dma_start3A_210 = arith.constant 0 : i32
    %dma_start3A_211 = tpu.memref_slice %arg4[%add3A_206, %dma_start3A_210] : memref<122880x128xf32, #tpu.memory_space<hbm>> -> memref<256x128xf32, #tpu.memory_space<hbm>>
    %dma_start3A_212 = arith.constant 0 : i32
    %dma_start3A_213 = tpu.memref_slice %arg4[%add3A_206, %dma_start3A_212] : memref<122880x128xf32, #tpu.memory_space<hbm>> -> memref<256x128xf32, #tpu.memory_space<hbm>>
    tpu.enqueue_dma source(%arg7 : memref<256x128xf32, #tpu.memory_space<vmem>>) target(%dma_start3A_213 : memref<256x128xf32, #tpu.memory_space<hbm>>) target_semaphore(%arg16 : memref<!tpu.dma_semaphore, #tpu.memory_space<semaphore_mem>>)
    %add3A_214 = arith.constant 3328 : i32
    %add3A_215 = arith.addi %mul3A_2, %add3A_214 : i32
    %dma_wait3A_216 = arith.constant 0 : i32
    %dma_wait3A_217 = tpu.memref_slice %arg4[%add3A_188, %dma_wait3A_216] : memref<122880x128xf32, #tpu.memory_space<hbm>> -> memref<256x128xf32, #tpu.memory_space<hbm>>
    %dma_wait3A_218 = arith.constant 0 : i32
    %dma_wait3A_219 = tpu.memref_slice %arg4[%add3A_188, %dma_wait3A_218] : memref<122880x128xf32, #tpu.memory_space<hbm>> -> memref<256x128xf32, #tpu.memory_space<hbm>>
    tpu.wait_dma2 semaphore(%arg15 : memref<!tpu.dma_semaphore, #tpu.memory_space<semaphore_mem>>) src(%arg6 : memref<256x128xf32, #tpu.memory_space<vmem>>) dst(%dma_wait3A_219 : memref<256x128xf32, #tpu.memory_space<hbm>>)
    "tpu.region"() ({
      %run_scoped3A = tpu.sem_alloc : memref<!tpu.dma_semaphore, #tpu.memory_space<semaphore_mem>>
      %dma_start3A_271 = tpu.memref_slice %arg3[%add3A_215] : memref<122880xi32, #tpu.memory_space<hbm>> -> memref<256xi32, #tpu.memory_space<hbm>>
      %dma_start3A_272 = tpu.memref_slice %arg3[%add3A_215] : memref<122880xi32, #tpu.memory_space<hbm>> -> memref<256xi32, #tpu.memory_space<hbm>>
      tpu.enqueue_dma source(%dma_start3A_272 : memref<256xi32, #tpu.memory_space<hbm>>) target(%arg9 : memref<256xi32, #tpu.memory_space<vmem>>) target_semaphore(%run_scoped3A : memref<!tpu.dma_semaphore, #tpu.memory_space<semaphore_mem>>)
      %dma_wait3A_273 = tpu.memref_slice %arg3[%add3A_215] : memref<122880xi32, #tpu.memory_space<hbm>> -> memref<256xi32, #tpu.memory_space<hbm>>
      %dma_wait3A_274 = tpu.memref_slice %arg3[%add3A_215] : memref<122880xi32, #tpu.memory_space<hbm>> -> memref<256xi32, #tpu.memory_space<hbm>>
      tpu.wait_dma2 semaphore(%run_scoped3A : memref<!tpu.dma_semaphore, #tpu.memory_space<semaphore_mem>>) src(%dma_wait3A_274 : memref<256xi32, #tpu.memory_space<hbm>>) dst(%arg9 : memref<256xi32, #tpu.memory_space<vmem>>)
      tpu.yield
    }) : () -> ()
    %dma_start3A_220 = arith.constant 0 : i32
    %dma_start3A_221 = arith.constant 0 : i32
    %dma_start3A_222 = tpu.memref_slice %arg2[%dma_start3A_220, %dma_start3A_221] : memref<131072x128xf32, #tpu.memory_space<hbm>> -> memref<131072x128xf32, #tpu.memory_space<hbm>>
    tpu.enqueue_indirect_dma source(%dma_start3A_222 : memref<131072x128xf32, #tpu.memory_space<hbm>>) target(%arg6 : memref<256x128xf32, #tpu.memory_space<vmem>>) offsets(%arg9 : memref<256xi32, #tpu.memory_space<vmem>>) semaphore(%arg12 : memref<!tpu.dma_semaphore, #tpu.memory_space<semaphore_mem>>)
    %add3A_223 = arith.constant 3072 : i32
    %add3A_224 = arith.addi %mul3A_2, %add3A_223 : i32
    %dma_wait3A_225 = arith.constant 0 : i32
    %dma_wait3A_226 = arith.constant 0 : i32
    %dma_wait3A_227 = tpu.memref_slice %arg2[%dma_wait3A_225, %dma_wait3A_226] : memref<131072x128xf32, #tpu.memory_space<hbm>> -> memref<131072x128xf32, #tpu.memory_space<hbm>>
    tpu.wait_indirect_dma semaphore(%arg11 : memref<!tpu.dma_semaphore, #tpu.memory_space<semaphore_mem>>) src(%dma_wait3A_227 : memref<131072x128xf32, #tpu.memory_space<hbm>>) dst(%arg5 : memref<256x128xf32, #tpu.memory_space<vmem>>)
    %dma_start3A_228 = arith.constant 0 : i32
    %dma_start3A_229 = tpu.memref_slice %arg4[%add3A_224, %dma_start3A_228] : memref<122880x128xf32, #tpu.memory_space<hbm>> -> memref<256x128xf32, #tpu.memory_space<hbm>>
    %dma_start3A_230 = arith.constant 0 : i32
    %dma_start3A_231 = tpu.memref_slice %arg4[%add3A_224, %dma_start3A_230] : memref<122880x128xf32, #tpu.memory_space<hbm>> -> memref<256x128xf32, #tpu.memory_space<hbm>>
    tpu.enqueue_dma source(%arg5 : memref<256x128xf32, #tpu.memory_space<vmem>>) target(%dma_start3A_231 : memref<256x128xf32, #tpu.memory_space<hbm>>) target_semaphore(%arg14 : memref<!tpu.dma_semaphore, #tpu.memory_space<semaphore_mem>>)
    %add3A_232 = arith.constant 3584 : i32
    %add3A_233 = arith.addi %mul3A_2, %add3A_232 : i32
    %dma_wait3A_234 = arith.constant 0 : i32
    %dma_wait3A_235 = tpu.memref_slice %arg4[%add3A_206, %dma_wait3A_234] : memref<122880x128xf32, #tpu.memory_space<hbm>> -> memref<256x128xf32, #tpu.memory_space<hbm>>
    %dma_wait3A_236 = arith.constant 0 : i32
    %dma_wait3A_237 = tpu.memref_slice %arg4[%add3A_206, %dma_wait3A_236] : memref<122880x128xf32, #tpu.memory_space<hbm>> -> memref<256x128xf32, #tpu.memory_space<hbm>>
    tpu.wait_dma2 semaphore(%arg16 : memref<!tpu.dma_semaphore, #tpu.memory_space<semaphore_mem>>) src(%arg7 : memref<256x128xf32, #tpu.memory_space<vmem>>) dst(%dma_wait3A_237 : memref<256x128xf32, #tpu.memory_space<hbm>>)
    "tpu.region"() ({
      %run_scoped3A = tpu.sem_alloc : memref<!tpu.dma_semaphore, #tpu.memory_space<semaphore_mem>>
      %dma_start3A_271 = tpu.memref_slice %arg3[%add3A_233] : memref<122880xi32, #tpu.memory_space<hbm>> -> memref<256xi32, #tpu.memory_space<hbm>>
      %dma_start3A_272 = tpu.memref_slice %arg3[%add3A_233] : memref<122880xi32, #tpu.memory_space<hbm>> -> memref<256xi32, #tpu.memory_space<hbm>>
      tpu.enqueue_dma source(%dma_start3A_272 : memref<256xi32, #tpu.memory_space<hbm>>) target(%arg10 : memref<256xi32, #tpu.memory_space<vmem>>) target_semaphore(%run_scoped3A : memref<!tpu.dma_semaphore, #tpu.memory_space<semaphore_mem>>)
      %dma_wait3A_273 = tpu.memref_slice %arg3[%add3A_233] : memref<122880xi32, #tpu.memory_space<hbm>> -> memref<256xi32, #tpu.memory_space<hbm>>
      %dma_wait3A_274 = tpu.memref_slice %arg3[%add3A_233] : memref<122880xi32, #tpu.memory_space<hbm>> -> memref<256xi32, #tpu.memory_space<hbm>>
      tpu.wait_dma2 semaphore(%run_scoped3A : memref<!tpu.dma_semaphore, #tpu.memory_space<semaphore_mem>>) src(%dma_wait3A_274 : memref<256xi32, #tpu.memory_space<hbm>>) dst(%arg10 : memref<256xi32, #tpu.memory_space<vmem>>)
      tpu.yield
    }) : () -> ()
    %dma_start3A_238 = arith.constant 0 : i32
    %dma_start3A_239 = arith.constant 0 : i32
    %dma_start3A_240 = tpu.memref_slice %arg2[%dma_start3A_238, %dma_start3A_239] : memref<131072x128xf32, #tpu.memory_space<hbm>> -> memref<131072x128xf32, #tpu.memory_space<hbm>>
    tpu.enqueue_indirect_dma source(%dma_start3A_240 : memref<131072x128xf32, #tpu.memory_space<hbm>>) target(%arg7 : memref<256x128xf32, #tpu.memory_space<vmem>>) offsets(%arg10 : memref<256xi32, #tpu.memory_space<vmem>>) semaphore(%arg13 : memref<!tpu.dma_semaphore, #tpu.memory_space<semaphore_mem>>)
    %add3A_241 = arith.constant 3328 : i32
    %add3A_242 = arith.addi %mul3A_2, %add3A_241 : i32
    %dma_wait3A_243 = arith.constant 0 : i32
    %dma_wait3A_244 = arith.constant 0 : i32
    %dma_wait3A_245 = tpu.memref_slice %arg2[%dma_wait3A_243, %dma_wait3A_244] : memref<131072x128xf32, #tpu.memory_space<hbm>> -> memref<131072x128xf32, #tpu.memory_space<hbm>>
    tpu.wait_indirect_dma semaphore(%arg12 : memref<!tpu.dma_semaphore, #tpu.memory_space<semaphore_mem>>) src(%dma_wait3A_245 : memref<131072x128xf32, #tpu.memory_space<hbm>>) dst(%arg6 : memref<256x128xf32, #tpu.memory_space<vmem>>)
    %dma_start3A_246 = arith.constant 0 : i32
    %dma_start3A_247 = tpu.memref_slice %arg4[%add3A_242, %dma_start3A_246] : memref<122880x128xf32, #tpu.memory_space<hbm>> -> memref<256x128xf32, #tpu.memory_space<hbm>>
    %dma_start3A_248 = arith.constant 0 : i32
    %dma_start3A_249 = tpu.memref_slice %arg4[%add3A_242, %dma_start3A_248] : memref<122880x128xf32, #tpu.memory_space<hbm>> -> memref<256x128xf32, #tpu.memory_space<hbm>>
    tpu.enqueue_dma source(%arg6 : memref<256x128xf32, #tpu.memory_space<vmem>>) target(%dma_start3A_249 : memref<256x128xf32, #tpu.memory_space<hbm>>) target_semaphore(%arg15 : memref<!tpu.dma_semaphore, #tpu.memory_space<semaphore_mem>>)
    %add3A_250 = arith.constant 3584 : i32
    %add3A_251 = arith.addi %mul3A_2, %add3A_250 : i32
    %dma_wait3A_252 = arith.constant 0 : i32
    %dma_wait3A_253 = arith.constant 0 : i32
    %dma_wait3A_254 = tpu.memref_slice %arg2[%dma_wait3A_252, %dma_wait3A_253] : memref<131072x128xf32, #tpu.memory_space<hbm>> -> memref<131072x128xf32, #tpu.memory_space<hbm>>
    tpu.wait_indirect_dma semaphore(%arg13 : memref<!tpu.dma_semaphore, #tpu.memory_space<semaphore_mem>>) src(%dma_wait3A_254 : memref<131072x128xf32, #tpu.memory_space<hbm>>) dst(%arg7 : memref<256x128xf32, #tpu.memory_space<vmem>>)
    %dma_start3A_255 = arith.constant 0 : i32
    %dma_start3A_256 = tpu.memref_slice %arg4[%add3A_251, %dma_start3A_255] : memref<122880x128xf32, #tpu.memory_space<hbm>> -> memref<256x128xf32, #tpu.memory_space<hbm>>
    %dma_start3A_257 = arith.constant 0 : i32
    %dma_start3A_258 = tpu.memref_slice %arg4[%add3A_251, %dma_start3A_257] : memref<122880x128xf32, #tpu.memory_space<hbm>> -> memref<256x128xf32, #tpu.memory_space<hbm>>
    tpu.enqueue_dma source(%arg7 : memref<256x128xf32, #tpu.memory_space<vmem>>) target(%dma_start3A_258 : memref<256x128xf32, #tpu.memory_space<hbm>>) target_semaphore(%arg16 : memref<!tpu.dma_semaphore, #tpu.memory_space<semaphore_mem>>)
    %dma_wait3A_259 = arith.constant 0 : i32
    %dma_wait3A_260 = tpu.memref_slice %arg4[%add3A_224, %dma_wait3A_259] : memref<122880x128xf32, #tpu.memory_space<hbm>> -> memref<256x128xf32, #tpu.memory_space<hbm>>
    %dma_wait3A_261 = arith.constant 0 : i32
    %dma_wait3A_262 = tpu.memref_slice %arg4[%add3A_224, %dma_wait3A_261] : memref<122880x128xf32, #tpu.memory_space<hbm>> -> memref<256x128xf32, #tpu.memory_space<hbm>>
    tpu.wait_dma2 semaphore(%arg14 : memref<!tpu.dma_semaphore, #tpu.memory_space<semaphore_mem>>) src(%arg5 : memref<256x128xf32, #tpu.memory_space<vmem>>) dst(%dma_wait3A_262 : memref<256x128xf32, #tpu.memory_space<hbm>>)
    %dma_wait3A_263 = arith.constant 0 : i32
    %dma_wait3A_264 = tpu.memref_slice %arg4[%add3A_242, %dma_wait3A_263] : memref<122880x128xf32, #tpu.memory_space<hbm>> -> memref<256x128xf32, #tpu.memory_space<hbm>>
    %dma_wait3A_265 = arith.constant 0 : i32
    %dma_wait3A_266 = tpu.memref_slice %arg4[%add3A_242, %dma_wait3A_265] : memref<122880x128xf32, #tpu.memory_space<hbm>> -> memref<256x128xf32, #tpu.memory_space<hbm>>
    tpu.wait_dma2 semaphore(%arg15 : memref<!tpu.dma_semaphore, #tpu.memory_space<semaphore_mem>>) src(%arg6 : memref<256x128xf32, #tpu.memory_space<vmem>>) dst(%dma_wait3A_266 : memref<256x128xf32, #tpu.memory_space<hbm>>)
    %dma_wait3A_267 = arith.constant 0 : i32
    %dma_wait3A_268 = tpu.memref_slice %arg4[%add3A_251, %dma_wait3A_267] : memref<122880x128xf32, #tpu.memory_space<hbm>> -> memref<256x128xf32, #tpu.memory_space<hbm>>
    %dma_wait3A_269 = arith.constant 0 : i32
    %dma_wait3A_270 = tpu.memref_slice %arg4[%add3A_251, %dma_wait3A_269] : memref<122880x128xf32, #tpu.memory_space<hbm>> -> memref<256x128xf32, #tpu.memory_space<hbm>>
    tpu.wait_dma2 semaphore(%arg16 : memref<!tpu.dma_semaphore, #tpu.memory_space<semaphore_mem>>) src(%arg7 : memref<256x128xf32, #tpu.memory_space<vmem>>) dst(%dma_wait3A_270 : memref<256x128xf32, #tpu.memory_space<hbm>>)
    return
  }
}

</mosaic_0001>

<sc_bundles>
// kernel: kernel.3.cloned.1.call-start
scs
__scs_entry_jumppad:
0x0: {  	(pc) =	sbr.rel $0x88, $3  }
0x1: {  	(tag) =	ssettag $0x0;
	lr =	simm.s32 $0x1  }
0x2: {  	[smem:$0x3FA0] =	sst lr;
	_ =	strace $0xD0000000  }
0x3: {  	_ = 	snop  }
0x4: {  	_ = 	snop  }
0x5: {  	_ = 	snop  }
0x6: {  	_ = 	snop  }
0x7: {  	_ = 	snop  }
__scs_overlays_trampoline_lowered:
0x8: {  	[smem:$0x3FAF] =	sst s0  }
0x9: {  	[smem:$0x3FB0] =	sst s1  }
0xa: {  	[smem:$0x3FB1] =	sst s2  }
0xb: {  	[smem:$0x3FB2] =	sst s3  }
0xc: {  	[smem:$0x3FB3] =	sst s4  }
0xd: {  	[smem:$0x3FB4] =	sst s5  }
0xe: {  	[smem:$0x3FB5] =	sst s6  }
0xf: {  	[smem:$0x3FB6] =	sst s7  }
0x10: {  	[smem:$0x3FB7] =	sst s8  }
0x11: {  	[smem:$0x3FB8] =	sst s9;
	s0 =	simm.s32 @!p0 $0x0  }
0x12: {  	s1 =	sld [smem:$0x3F9E];
	s0 =	simm.s32 @p0 $0x1  }
0x13: {  	[smem:$0x3FB9] =	sst s0;
	s0 =	simm.s32 @!p1 $0x0  }
0x14: {  	s2 =	sld [smem:$0x3F9D];
	s0 =	simm.s32 @p1 $0x1  }
0x15: {  	[smem:$0x3FBA] =	sst s0;
	s0 =	simm.s32 @!p2 $0x0  }
0x16: {  	s3 =	sld [smem:$0x3FDB];
	s0 =	simm.s32 @p2 $0x1  }
0x17: {  	s4 =	simm.s32 $0x1BF5;
	[smem:$0x3FBC] =	sst s0  }
0x18: {  	s0 =	sld [smem:$0x3F9F];
	_ =	swait.ge [sflag:s4], $0x0  }
0x19: {  	s7 =	sld [smem:$0x3FA0]  }
0x1a: {  	s8 =	sadd.s32 $0xFFFFE003, lr  }
0x1b: {  	s9 =	sadd.s32 $0xFFFFFEF7, lr;
	s5 =	simm.s32 $0xFFFFFFFF;
	p2 =	slt.u32 s8, $0xFFFFF086  }
0x1c: {  	p1 =	slt.u32 s9, $0xF7A;
	s5 =	simm.s32 @!p2 $0x0  }
0x1d: {  	s5 =	simm.s32 @p1 $0x1;
	p0 =	seq.s32 s7, s2  }
0x1e: {  	s7 =	smul.u32 @!p0 $0xF7A, s2;
	p2 =	seq.s32 @!p0 s5, $0x0  }
0x1f: {  	s9 =	smul.u32 $0xF7A, s1;
	s8 =	simm.s32 @!p0 $0x1BF5;
	p2 =	por !p2, p0  }
0x20: {  	[sflag:s8] =	ssyncset.s32 @!p0 $0xFFFFF086;
	s6 =	sadd.s32 @!p0 s3, s7;
	s7 =	simm.s32 @!p0 $0x108  }
0x21: {  	s3 =	sadd.s32 s3, s9;
	s6 =	sadd.s32 @!p0 $0x88, s6;
	s7 =	simm.s32 @p2 $0x1082  }
0x22: {  	[simem:s7], [sflag:s8] =	dma.local @!p0 [hbm:s6], $0xF7A  }
0x23: {  	s9 =	sor.u32 $0xD0000000, s2;
	s6 =	simm.s32 $0x108;
	_ =	swait.ge @!p0 [sflag:s8], $0x0  }
0x24: {  	s3 =	sadd.s32 $0x88, s3;
	s6 =	simm.s32 @!p1 $0x1082;
	[sflag:s4] =	ssyncset.s32 $0xFFFFF086  }
0x25: {  	[simem:s6], [sflag:s4] =	dma.local [hbm:s3], $0xF7A  }
0x26: {  	[smem:$0x3FA0] =	sst s1;
	(tag) =	ssettag s2;
	_ =	strace s9  }
0x27: {  	s1 =	sld [smem:$0x3FB0]  }
0x28: {  	s2 =	sld [smem:$0x3FB1]  }
0x29: {  	s4 =	sld [smem:$0x3FB3]  }
0x2a: {  	p0 =	seq.s32 s5, $0x0;
	s5 =	sld [smem:$0x3FB4]  }
0x2b: {  	s6 =	sld [smem:$0x3FB5]  }
0x2c: {  	s7 =	sld [smem:$0x3FB6]  }
0x2d: {  	s3 =	simm.s32 $0x108;
	s8 =	sld [smem:$0x3FB7]  }
0x2e: {  	s3 =	simm.s32 @!p0 $0x1082;
	s9 =	sld [smem:$0x3FB8]  }
0x2f: {  	lr =	sadd.s32 s0, s3;
	s0 =	sld [smem:$0x3FAF]  }
0x30: {  	s3 =	sld [smem:$0x3FB2]  }
0x31: {  	[smem:$0x3FBB] =	sst s10  }
0x32: {  	s10 =	sld [smem:$0x3FB9];
	_ =	sdelay $0x3  }
0x33: {  	p0 =	seq.s32 s10, $0x1;
	s10 =	sld [smem:$0x3FBB];
	_ =	sdelay $0x3  }
0x34: {  	[smem:$0x3FBB] =	sst s10  }
0x35: {  	s10 =	sld [smem:$0x3FBA];
	_ =	sdelay $0x3  }
0x36: {  	p1 =	seq.s32 s10, $0x1;
	s10 =	sld [smem:$0x3FBB];
	_ =	sdelay $0x3  }
0x37: {  	[smem:$0x3FBB] =	sst s10  }
0x38: {  	s10 =	sld [smem:$0x3FBC]  }
0x39: {  	_ = 	snop;
	(pc) =	sbr.ind lr, $3  }
0x3a: {  	_ = 	snop  }
0x3b: {  	_ = 	snop  }
0x3c: {  	p2 =	seq.s32 s10, $0x1;
	s10 =	sld [smem:$0x3FBB]  }
0x3d: {  	_ =	shalt  }
0x3e: {  	_ =	shalt  }
0x3f: {  	_ =	shalt  }
0x40: {  	_ =	shalt  }
0x41: {  	_ =	shalt  }
0x42: {  	_ =	shalt  }
0x43: {  	_ =	shalt  }
0x44: {  	_ =	shalt  }
0x45: {  	_ =	shalt  }
0x46: {  	_ =	shalt  }
0x47: {  	_ =	shalt  }
0x48: {  	_ =	shalt  }
0x49: {  	_ =	shalt  }
0x4a: {  	_ =	shalt  }
0x4b: {  	_ =	shalt  }
0x4c: {  	_ =	shalt  }
0x4d: {  	_ =	shalt  }
0x4e: {  	_ =	shalt  }
0x4f: {  	_ =	shalt  }
0x50: {  	_ =	shalt  }
0x51: {  	_ =	shalt  }
0x52: {  	_ =	shalt  }
0x53: {  	_ =	shalt  }
0x54: {  	_ =	shalt  }
0x55: {  	_ =	shalt  }
0x56: {  	_ =	shalt  }
0x57: {  	_ =	shalt  }
0x58: {  	_ =	shalt  }
0x59: {  	_ =	shalt  }
0x5a: {  	_ =	shalt  }
0x5b: {  	_ =	shalt  }
0x5c: {  	_ =	shalt  }
0x5d: {  	_ =	shalt  }
0x5e: {  	_ =	shalt  }
0x5f: {  	_ =	shalt  }
0x60: {  	_ =	shalt  }
0x61: {  	_ =	shalt  }
0x62: {  	_ =	shalt  }
0x63: {  	_ =	shalt  }
0x64: {  	_ =	shalt  }
0x65: {  	_ =	shalt  }
0x66: {  	_ =	shalt  }
0x67: {  	_ =	shalt  }
0x68: {  	_ =	shalt  }
0x69: {  	_ =	shalt  }
0x6a: {  	_ =	shalt  }
0x6b: {  	_ =	shalt  }
0x6c: {  	_ =	shalt  }
0x6d: {  	_ =	shalt  }
0x6e: {  	_ =	shalt  }
0x6f: {  	_ =	shalt  }
0x70: {  	_ =	shalt  }
0x71: {  	_ =	shalt  }
0x72: {  	_ =	shalt  }
0x73: {  	_ =	shalt  }
0x74: {  	_ =	shalt  }
0x75: {  	_ =	shalt  }
0x76: {  	_ =	shalt  }
0x77: {  	_ =	shalt  }
0x78: {  	_ =	shalt  }
0x79: {  	_ =	shalt  }
0x7a: {  	_ =	shalt  }
0x7b: {  	_ =	shalt  }
0x7c: {  	_ =	shalt  }
0x7d: {  	_ =	shalt  }
0x7e: {  	_ =	shalt  }
0x7f: {  	_ =	shalt  }
0x80: {  	_ =	shalt  }
0x81: {  	_ =	shalt  }
0x82: {  	_ =	shalt  }
0x83: {  	_ =	shalt  }
0x84: {  	_ =	shalt  }
0x85: {  	_ =	shalt  }
0x86: {  	_ =	shalt  }
0x87: {  	_ =	shalt  }
.Lfunc_end0:
.L_simem_size_0:
called_computation.2_lowered:
.L_overlay_start_0:
0x88: {  	s2 =	sld [smem:$0x3FD9]  }
0x89: {  	s3 =	sld [smem:$0x3FFE];
	_ =	sdelay $0x1  }
0x8a: {  	s1 =	srdreg.scid  }
0x8b: {  	s0 =	sand.u32 $0x1, s1  }
0x8c: {  	s14 =	sshll.u32 s0, $0xA;
	s2 =	sadd.s32 s3, s2  }
0x8d: {  	s2 =	sadd.s32 s2, s14  }
0x8e: {  	[smem:$0x3FC7] =	sst s2  }
0x8f: {  	_ = 	snop  }
0x90: {  	s2 =	sld [smem:$0x3FD0];
	_ =	sdelay $0x2  }
0x91: {  	s15 =	simm.s32 $0xA;
	s4 =	simm.s32 $0x10  }
0x92: {  	[smem:s4], [sflag:s15] =	dma.local [hbm:s2], $0x1  }
0x93: {  	_ =	swait.eq [sflag:s15], $0x1  }
0x94: {  	[sflag:s15] =	ssyncset.done $0x0  }
0x95: {  	[sflag:s15] =	ssyncadd.s32 $0xFFFFFFFF  }
0x96: {  	s16 =	sld [smem:$0x12];
	(tm) =	ssettm $0x1  }
0x97: {  	s17 =	sld [smem:$0x3FFB];
	_ =	sdelay $0x3  }
0x98: {  	_ =	strace s17  }
0x99: {  	s3 =	sld [smem:$0x3FFC];
	_ =	sdelay $0x3  }
0x9a: {  	_ =	strace s3  }
0x9b: {  	s3 =	sld [smem:$0x3FFD];
	_ =	sdelay $0x3  }
0x9c: {  	_ =	strace s3  }
0x9d: {  	_ =	strace $0x8FFFFFFF  }
0x9e: {  	s18 =	sld [smem:$0x3FDB];
	_ =	sdelay $0x1  }
0x9f: {  	s19 =	simm.s32 $_scs_section_size  }
0xa0: {  	s5 =	simm.s32 $_size__tile_overlayer_lowered;
	s6 =	simm.s32 $_tile_overlayer_lowered  }
0xa1: {  	s22 =	simm.s32 $0x1BFF;
	s21 =	sshll.u32 s6, $0x1;
	s3 =	sadd.s32 s19, s18  }
0xa2: {  	s7 =	simm.s32 $0x0;
	s20 =	sshll.u32 s5, $0x1;
	s5 =	sadd.s32 s21, s3  }
0xa3: {  	[timem:s7], [sflag:s22] =	dma.local [hbm:s5], s20  }
0xa4: {  	_ =	swait.ge [sflag:s22], s20  }
0xa5: {  	s4 =	ssub.s32 $0x0, s20;
	[sflag:s22] =	ssyncset.done $0x0  }
0xa6: {  	[sflag:s22] =	ssyncadd.s32 s4;
	_ =	sdelay $0x1  }
0xa7: {  	s23 =	simm.s32 $0x1B8B  }
0xa8: {  	_ =	swait.ge [sflag:s23], $0x1  }
0xa9: {  	[sflag:s23] =	ssyncset.done $0x0  }
0xaa: {  	s25 =	simm.s32 $0x1B8E;
	s24 =	sld [smem:$0x3FFE];
	[sflag:s23] =	ssyncadd.s32 $0xFFFFFFFF  }
0xab: {  	s26 =	simm.s32 $execute0_lowered;
	[smem:$0x3FD2] =	sst s25  }
0xac: {  	s5 =	sshll.u32 s26, $0x1;
	_ =	strace $0x80000049;
	[dreg:$0x1] =	wrdreg $0xFFFFFFFF  }
0xad: {  	s28 =	simm.s32 $_size_execute0_lowered;
	s3 =	sadd.s32 s3, s5;
	[dreg:$0x0] =	wrdreg $0x0  }
0xae: {  	s5 =	sshll.u32 s28, $0x1;
	[dreg:$0x2] =	wrdreg s3  }
0xaf: {  	[dreg:$0x3] =	wrdreg s5  }
0xb0: {  	[dreg:$0x4] =	wrdreg $0xC0  }
0xb1: {  	_ =	task [dreg:s7], $0x5FFFF  }
0xb2: {  	[dreg:$0x1] =	wrdreg $0xFFFFFFFF  }
0xb3: {  	[dreg:$0x0] =	wrdreg $0x60  }
0xb4: {  	[dreg:$0x2] =	wrdreg s24  }
0xb5: {  	[dreg:$0x3] =	wrdreg s16  }
0xb6: {  	[dreg:$0x4] =	wrdreg $0x9  }
0xb7: {  	_ =	task.clear_ibuf [dreg:s7], $0x5FFFF;
	_ =	strace $0x90000049  }
0xb8: {  	s29 =	simm.s32 $0x9;
	_ =	strace $0x8000004B  }
0xb9: {  	_ =	swait.ge [sflag:s29], $0x1  }
0xba: {  	[sflag:s29] =	ssyncadd.s32 $0xFFFFFFFF  }
0xbb: {  	_ =	strace $0x9000004B  }
0xbc: {  	_ =	sfence  }
0xbd: {  	s30 =	sld [smem:$0x0];
	_ =	sdelay $0x2  }
0xbe: {  	s31 =	sshll.u32 s1, $0xD;
	s1 =	sshrl.u32 s1, $0x2  }
0xbf: {  	s3 =	sand.u32 $0x4000, s31;
	s1 =	sadd.s32 s1, s30  }
0xc0: {  	s0 =	sor.u32 s3, s0;
	s1 =	sshll.u32 s1, $0x11  }
0xc1: {  	s0 =	sor.u32 s1, s0  }
0xc2: {  	s0 =	sadd.s32 $0x8F2B, s0  }
0xc3: {  	[sflag:s0] =	ssyncadd.remote.s32 $0x1  }
0xc4: {  	_ =	sfence.sel $0xFFFF  }
0xc5: {  	[dreg:$0x0] =	wrdreg $0xFFFFFFFF;
	(pc) =	sbr.abs _section_cstart, $3  }
0xc6: {  	[dreg:$0x1] =	wrdreg $0xFFFFFFFF  }
0xc7: {  	_ =	task.clear_ibuf [dreg:s7], $0x2FFFF;
	_ =	strace $0x9FFFFFFF  }
0xc8: {  	(tm) =	ssettm $0x7FFFFFFF  }
0xc9: {  	_ =	shalt  }
tec
execute0_lowered:
.L_overlay_start_1:
0x0: {  	(tag) =	ssettag $0x1  }
0x1: {  	s1 =	srdreg.scid;
	s0 =	stileid.u32  }
0x2: {  	s5 =	rddreg [dreg:$0x0];
	s1 =	sand.u32 $0x1, s1;
	s2 =	sshll.u32 s0, $0x1  }
0x3: {  	s29 =	rddreg [dreg:$0x1];
	s3 =	sor.u32 s1, s2  }
0x4: {  	[dreg:$0x14] =	wrdreg s1;
	s2 =	simm.s32 $0x0;
	s30 =	smul.u32 $0xF00, s3  }
0x5: {  	s31 =	sadd.s32 $0x1200, s5;
	[smem:$0x7FF] =	sst s2;
	s3 =	smul.u32 $0xF000, s3  }
0x6: {  	_ =	strace $0x8000004A;
	s4 =	sshrl.u32 s30, $0x3;
	s6 =	sadd.s32 $0x100, s30  }
0x7: {  	s3 =	sadd.s32 s31, s3;
	s21 =	sadd.s32 $0x200, s30;
	s23 =	sadd.s32 $0x300, s30  }
0x8: {  	s1 =	sadd.s32 $0x400, s30;
	s9 =	sadd.s32 $0x500, s30;
	s14 =	sadd.s32 $0x600, s30  }
0x9: {  	s4 =	sadd.s32 s29, s4;
	s7 =	sshrl.u32 s6, $0x3;
	[dreg:$0x5] =	wrdreg s3  }
0xa: {  	s22 =	sshrl.u32 s21, $0x3;
	[dreg:$0x3] =	wrdreg s4;
	s20 =	sadd.s32 s29, s7  }
0xb: {  	s6 =	sshll.u32 s6, $0x4;
	s3 =	sadd.s32 s29, s22;
	[dreg:$0x4] =	wrdreg s20  }
0xc: {  	s25 =	sshrl.u32 s23, $0x3;
	s24 =	sadd.s32 s31, s6;
	[dreg:$0x6] =	wrdreg s3  }
0xd: {  	s8 =	sshll.u32 s23, $0x4;
	s26 =	sadd.s32 s29, s25;
	[dreg:$0x7] =	wrdreg s24  }
0xe: {  	s11 =	sshrl.u32 s9, $0x3;
	s10 =	sadd.s32 s31, s8;
	[dreg:$0x8] =	wrdreg s26  }
0xf: {  	s16 =	sshll.u32 s9, $0x4;
	s12 =	sadd.s32 s29, s11;
	[dreg:$0xb] =	wrdreg s10  }
0x10: {  	s17 =	sadd.s32 $0x700, s30;
	s18 =	sadd.s32 s31, s16;
	[dreg:$0xc] =	wrdreg s12  }
0x11: {  	s15 =	sshrl.u32 s14, $0x3;
	s4 =	sshll.u32 s21, $0x4;
	[dreg:$0xf] =	wrdreg s18  }
0x12: {  	s6 =	sshrl.u32 s1, $0x3;
	s0 =	sadd.s32 s31, s4;
	s23 =	rddreg [dreg:$0x3]  }
0x13: {  	s19 =	sshrl.u32 s17, $0x3;
	s3 =	sadd.s32 s29, s6;
	[dreg:$0x9] =	wrdreg s0  }
0x14: {  	s4 =	sshll.u32 s1, $0x4;
	s20 =	sadd.s32 s29, s19;
	[dreg:$0xa] =	wrdreg s3  }
0x15: {  	s21 =	sshll.u32 s14, $0x4;
	s13 =	sadd.s32 s31, s4;
	[dreg:$0x10] =	wrdreg s20  }
0x16: {  	s19 =	sadd.s32 $0x800, s30;
	s3 =	sadd.s32 s29, s15;
	[dreg:$0xd] =	wrdreg s13  }
0x17: {  	s22 =	sshrl.u32 s19, $0x3;
	[dreg:$0xe] =	wrdreg s3;
	s3 =	sadd.s32 s31, s21  }
0x18: {  	s24 =	sadd.s32 s29, s22;
	[dreg:$0x11] =	wrdreg s3  }
0x19: {  	s4 =	simm.s32 $0x7;
	[dreg:$0x12] =	wrdreg s24;
	s3 =	simm.s32 $0x18000  }
0x1a: {  	[tilespmem:s3], [sflag:$0x7] =	stream.linear.gather [hbm4b:s23+s2], $0x100, $0x38;
	[tilespmem:$0x18300] =	vst v63  }
0x1b: {  	_ =	swait.ge [sflag:s4], $0x100  }
0x1c: {  	[sflag:s4] =	ssyncset.done $0x0  }
0x1d: {  	s5 =	sadd.s32 $0x201200, s5;
	s6 =	simm.s32 $0x100;
	[sflag:s4] =	ssyncadd.s32 $0xFFFFFF00  }
0x1e: {  	[tilespmem:s2], [sflag:$0x1] =	stream.indirect.gather [hbm4b:s5+s6], $0x80, s3, s6, $0xb8;
	[tilespmem:$0x18300] =	vst v63  }
0x1f: {  	s7 =	simm.s32 $0x18100;
	s8 =	rddreg [dreg:$0x4]  }
0x20: {  	[tilespmem:s7], [sflag:$0x7] =	stream.linear.gather [hbm4b:s8+s2], $0x100, $0x38;
	[tilespmem:$0x18300] =	vst v63  }
0x21: {  	_ =	swait.ge [sflag:s4], $0x100  }
0x22: {  	[sflag:s4] =	ssyncset.done $0x0  }
0x23: {  	s9 =	simm.s32 $0x1;
	s8 =	simm.s32 $0x8000;
	[sflag:s4] =	ssyncadd.s32 $0xFFFFFF00  }
0x24: {  	[tilespmem:s8], [sflag:$0x2] =	stream.indirect.gather [hbm4b:s5+s6], $0x80, s7, s6, $0xb8;
	[tilespmem:$0x18300] =	vst v63  }
0x25: {  	_ =	swait.ge [sflag:s9], $0x8000  }
0x26: {  	[sflag:s9] =	ssyncset.done $0x0  }
0x27: {  	s10 =	rddreg [dreg:$0x5];
	[sflag:s9] =	ssyncadd.s32 $0xFFFF8000  }
0x28: {  	[hbm4b:s10+s2] =	stream.linear.scatter [tilespmem:s2], [sflag:$0x4], $0x8000, $0x38;
	[tilespmem:$0x18300] =	vst v63  }
0x29: {  	s11 =	rddreg [dreg:$0x6];
	s10 =	simm.s32 $0x18200  }
0x2a: {  	[tilespmem:s10], [sflag:$0x7] =	stream.linear.gather [hbm4b:s11+s2], $0x100, $0x38;
	[tilespmem:$0x18300] =	vst v63  }
0x2b: {  	_ =	swait.ge [sflag:s4], $0x100  }
0x2c: {  	[sflag:s4] =	ssyncset.done $0x0  }
0x2d: {  	s12 =	simm.s32 $0x2;
	s11 =	simm.s32 $0x10000;
	[sflag:s4] =	ssyncadd.s32 $0xFFFFFF00  }
0x2e: {  	[tilespmem:s11], [sflag:$0x3] =	stream.indirect.gather [hbm4b:s5+s6], $0x80, s10, s6, $0xb8;
	[tilespmem:$0x18300] =	vst v63  }
0x2f: {  	_ =	swait.ge [sflag:s12], $0x8000  }
0x30: {  	[sflag:s12] =	ssyncset.done $0x0  }
0x31: {  	s13 =	simm.s32 $0x4;
	s14 =	rddreg [dreg:$0x7];
	[sflag:s12] =	ssyncadd.s32 $0xFFFF8000  }
0x32: {  	[hbm4b:s14+s2] =	stream.linear.scatter [tilespmem:s8], [sflag:$0x5], $0x8000, $0x38;
	[tilespmem:$0x18300] =	vst v63  }
0x33: {  	_ =	swait.ge [sflag:s13], $0x8000  }
0x34: {  	[sflag:s13] =	ssyncset.done $0x0  }
0x35: {  	s25 =	rddreg [dreg:$0x8];
	[sflag:s13] =	ssyncadd.s32 $0xFFFF8000  }
0x36: {  	[tilespmem:s3], [sflag:$0x7] =	stream.linear.gather [hbm4b:s25+s2], $0x100, $0x38;
	[tilespmem:$0x18300] =	vst v63  }
0x37: {  	_ =	swait.ge [sflag:s4], $0x100  }
0x38: {  	[sflag:s4] =	ssyncset.done $0x0  }
0x39: {  	s14 =	simm.s32 $0x3;
	[sflag:s4] =	ssyncadd.s32 $0xFFFFFF00  }
0x3a: {  	[tilespmem:s2], [sflag:$0x1] =	stream.indirect.gather [hbm4b:s5+s6], $0x80, s3, s6, $0xb8;
	[tilespmem:$0x18300] =	vst v63  }
0x3b: {  	_ =	swait.ge [sflag:s14], $0x8000  }
0x3c: {  	[sflag:s14] =	ssyncset.done $0x0  }
0x3d: {  	s15 =	simm.s32 $0x5;
	s16 =	rddreg [dreg:$0x9];
	[sflag:s14] =	ssyncadd.s32 $0xFFFF8000  }
0x3e: {  	[hbm4b:s16+s2] =	stream.linear.scatter [tilespmem:s11], [sflag:$0x6], $0x8000, $0x38;
	[tilespmem:$0x18300] =	vst v63  }
0x3f: {  	_ =	swait.ge [sflag:s15], $0x8000  }
0x40: {  	[sflag:s15] =	ssyncset.done $0x0  }
0x41: {  	s26 =	rddreg [dreg:$0xa];
	[sflag:s15] =	ssyncadd.s32 $0xFFFF8000  }
0x42: {  	[tilespmem:s7], [sflag:$0x7] =	stream.linear.gather [hbm4b:s26+s2], $0x100, $0x38;
	[tilespmem:$0x18300] =	vst v63  }
0x43: {  	_ =	swait.ge [sflag:s4], $0x100  }
0x44: {  	[sflag:s4] =	ssyncset.done $0x0  }
0x45: {  	[sflag:s4] =	ssyncadd.s32 $0xFFFFFF00  }
0x46: {  	[tilespmem:s8], [sflag:$0x2] =	stream.indirect.gather [hbm4b:s5+s6], $0x80, s7, s6, $0xb8;
	[tilespmem:$0x18300] =	vst v63  }
0x47: {  	_ =	swait.ge [sflag:s9], $0x8000  }
0x48: {  	[sflag:s9] =	ssyncset.done $0x0  }
0x49: {  	s16 =	simm.s32 $0x6;
	s18 =	rddreg [dreg:$0xb];
	[sflag:s9] =	ssyncadd.s32 $0xFFFF8000  }
0x4a: {  	[hbm4b:s18+s2] =	stream.linear.scatter [tilespmem:s2], [sflag:$0x4], $0x8000, $0x38;
	[tilespmem:$0x18300] =	vst v63  }
0x4b: {  	_ =	swait.ge [sflag:s16], $0x8000  }
0x4c: {  	[sflag:s16] =	ssyncset.done $0x0  }
0x4d: {  	s0 =	rddreg [dreg:$0xc];
	[sflag:s16] =	ssyncadd.s32 $0xFFFF8000  }
0x4e: {  	[tilespmem:s10], [sflag:$0x7] =	stream.linear.gather [hbm4b:s0+s2], $0x100, $0x38;
	[tilespmem:$0x18300] =	vst v63  }
0x4f: {  	_ =	swait.ge [sflag:s4], $0x100  }
0x50: {  	[sflag:s4] =	ssyncset.done $0x0  }
0x51: {  	[sflag:s4] =	ssyncadd.s32 $0xFFFFFF00  }
0x52: {  	[tilespmem:s11], [sflag:$0x3] =	stream.indirect.gather [hbm4b:s5+s6], $0x80, s10, s6, $0xb8;
	[tilespmem:$0x18300] =	vst v63  }
0x53: {  	_ =	swait.ge [sflag:s12], $0x8000  }
0x54: {  	[sflag:s12] =	ssyncset.done $0x0  }
0x55: {  	s1 =	rddreg [dreg:$0xd];
	[sflag:s12] =	ssyncadd.s32 $0xFFFF8000  }
0x56: {  	[hbm4b:s1+s2] =	stream.linear.scatter [tilespmem:s8], [sflag:$0x5], $0x8000, $0x38;
	[tilespmem:$0x18300] =	vst v63  }
0x57: {  	_ =	swait.ge [sflag:s13], $0x8000  }
0x58: {  	[sflag:s13] =	ssyncset.done $0x0  }
0x59: {  	s20 =	rddreg [dreg:$0xe];
	[sflag:s13] =	ssyncadd.s32 $0xFFFF8000  }
0x5a: {  	[tilespmem:s3], [sflag:$0x7] =	stream.linear.gather [hbm4b:s20+s2], $0x100, $0x38;
	[tilespmem:$0x18300] =	vst v63  }
0x5b: {  	_ =	swait.ge [sflag:s4], $0x100  }
0x5c: {  	[sflag:s4] =	ssyncset.done $0x0  }
0x5d: {  	[sflag:s4] =	ssyncadd.s32 $0xFFFFFF00  }
0x5e: {  	[tilespmem:s2], [sflag:$0x1] =	stream.indirect.gather [hbm4b:s5+s6], $0x80, s3, s6, $0xb8;
	[tilespmem:$0x18300] =	vst v63  }
0x5f: {  	_ =	swait.ge [sflag:s14], $0x8000  }
0x60: {  	[sflag:s14] =	ssyncset.done $0x0  }
0x61: {  	s21 =	rddreg [dreg:$0xf];
	[sflag:s14] =	ssyncadd.s32 $0xFFFF8000  }
0x62: {  	[hbm4b:s21+s2] =	stream.linear.scatter [tilespmem:s11], [sflag:$0x6], $0x8000, $0x38;
	[tilespmem:$0x18300] =	vst v63  }
0x63: {  	_ =	swait.ge [sflag:s15], $0x8000  }
0x64: {  	[sflag:s15] =	ssyncset.done $0x0  }
0x65: {  	s22 =	rddreg [dreg:$0x10];
	[sflag:s15] =	ssyncadd.s32 $0xFFFF8000  }
0x66: {  	[tilespmem:s7], [sflag:$0x7] =	stream.linear.gather [hbm4b:s22+s2], $0x100, $0x38;
	[tilespmem:$0x18300] =	vst v63  }
0x67: {  	_ =	swait.ge [sflag:s4], $0x100  }
0x68: {  	[sflag:s4] =	ssyncset.done $0x0  }
0x69: {  	[sflag:s4] =	ssyncadd.s32 $0xFFFFFF00  }
0x6a: {  	[tilespmem:s8], [sflag:$0x2] =	stream.indirect.gather [hbm4b:s5+s6], $0x80, s7, s6, $0xb8;
	[tilespmem:$0x18300] =	vst v63  }
0x6b: {  	_ =	swait.ge [sflag:s9], $0x8000  }
0x6c: {  	[sflag:s9] =	ssyncset.done $0x0  }
0x6d: {  	s23 =	rddreg [dreg:$0x11];
	[sflag:s9] =	ssyncadd.s32 $0xFFFF8000  }
0x6e: {  	[hbm4b:s23+s2] =	stream.linear.scatter [tilespmem:s2], [sflag:$0x4], $0x8000, $0x38;
	[tilespmem:$0x18300] =	vst v63  }
0x6f: {  	_ =	swait.ge [sflag:s16], $0x8000  }
0x70: {  	[sflag:s16] =	ssyncset.done $0x0  }
0x71: {  	s24 =	rddreg [dreg:$0x12];
	[sflag:s16] =	ssyncadd.s32 $0xFFFF8000  }
0x72: {  	[tilespmem:s10], [sflag:$0x7] =	stream.linear.gather [hbm4b:s24+s2], $0x100, $0x38;
	[tilespmem:$0x18300] =	vst v63  }
0x73: {  	_ =	swait.ge [sflag:s4], $0x100  }
0x74: {  	[sflag:s4] =	ssyncset.done $0x0  }
0x75: {  	[sflag:s4] =	ssyncadd.s32 $0xFFFFFF00  }
0x76: {  	[tilespmem:s11], [sflag:$0x3] =	stream.indirect.gather [hbm4b:s5+s6], $0x80, s10, s6, $0xb8;
	[tilespmem:$0x18300] =	vst v63  }
0x77: {  	s17 =	sshll.u32 s17, $0x4;
	_ =	swait.ge [sflag:s12], $0x8000  }
0x78: {  	s25 =	sadd.s32 s31, s17;
	[sflag:s12] =	ssyncset.done $0x0  }
0x79: {  	[dreg:$0x13] =	wrdreg s25;
	[sflag:s12] =	ssyncadd.s32 $0xFFFF8000  }
0x7a: {  	[hbm4b:s25+s2] =	stream.linear.scatter [tilespmem:s8], [sflag:$0x5], $0x8000, $0x38;
	[tilespmem:$0x18300] =	vst v63  }
0x7b: {  	s21 =	sadd.s32 $0x900, s30;
	_ =	swait.ge [sflag:s13], $0x8000  }
0x7c: {  	s26 =	sshrl.u32 s21, $0x3;
	[sflag:s13] =	ssyncset.done $0x0  }
0x7d: {  	s18 =	sadd.s32 s29, s26;
	[sflag:s13] =	ssyncadd.s32 $0xFFFF8000  }
0x7e: {  	[tilespmem:s3], [sflag:$0x7] =	stream.linear.gather [hbm4b:s18+s2], $0x100, $0x38;
	[tilespmem:$0x18300] =	vst v63  }
0x7f: {  	_ =	swait.ge [sflag:s4], $0x100  }
0x80: {  	[sflag:s4] =	ssyncset.done $0x0  }
0x81: {  	[sflag:s4] =	ssyncadd.s32 $0xFFFFFF00  }
0x82: {  	[tilespmem:s2], [sflag:$0x1] =	stream.indirect.gather [hbm4b:s5+s6], $0x80, s3, s6, $0xb8;
	[tilespmem:$0x18300] =	vst v63  }
0x83: {  	_ =	swait.ge [sflag:s14], $0x8000  }
0x84: {  	s19 =	sshll.u32 s19, $0x4;
	[sflag:s14] =	ssyncset.done $0x0  }
0x85: {  	s19 =	sadd.s32 s31, s19;
	[sflag:s14] =	ssyncadd.s32 $0xFFFF8000  }
0x86: {  	[hbm4b:s19+s2] =	stream.linear.scatter [tilespmem:s11], [sflag:$0x6], $0x8000, $0x38;
	[tilespmem:$0x18300] =	vst v63  }
0x87: {  	s23 =	sadd.s32 $0xA00, s30;
	_ =	swait.ge [sflag:s15], $0x8000  }
0x88: {  	s20 =	sshrl.u32 s23, $0x3;
	[sflag:s15] =	ssyncset.done $0x0  }
0x89: {  	s20 =	sadd.s32 s29, s20;
	[sflag:s15] =	ssyncadd.s32 $0xFFFF8000  }
0x8a: {  	[tilespmem:s7], [sflag:$0x7] =	stream.linear.gather [hbm4b:s20+s2], $0x100, $0x38;
	[tilespmem:$0x18300] =	vst v63  }
0x8b: {  	_ =	swait.ge [sflag:s4], $0x100  }
0x8c: {  	[sflag:s4] =	ssyncset.done $0x0  }
0x8d: {  	[sflag:s4] =	ssyncadd.s32 $0xFFFFFF00  }
0x8e: {  	[tilespmem:s8], [sflag:$0x2] =	stream.indirect.gather [hbm4b:s5+s6], $0x80, s7, s6, $0xb8;
	[tilespmem:$0x18300] =	vst v63  }
0x8f: {  	_ =	swait.ge [sflag:s9], $0x8000  }
0x90: {  	s21 =	sshll.u32 s21, $0x4;
	[sflag:s9] =	ssyncset.done $0x0  }
0x91: {  	s21 =	sadd.s32 s31, s21;
	[sflag:s9] =	ssyncadd.s32 $0xFFFF8000  }
0x92: {  	[hbm4b:s21+s2] =	stream.linear.scatter [tilespmem:s2], [sflag:$0x4], $0x8000, $0x38;
	[tilespmem:$0x18300] =	vst v63  }
0x93: {  	s25 =	sadd.s32 $0xB00, s30;
	_ =	swait.ge [sflag:s16], $0x8000  }
0x94: {  	s22 =	sshrl.u32 s25, $0x3;
	[sflag:s16] =	ssyncset.done $0x0  }
0x95: {  	s22 =	sadd.s32 s29, s22;
	[sflag:s16] =	ssyncadd.s32 $0xFFFF8000  }
0x96: {  	[tilespmem:s10], [sflag:$0x7] =	stream.linear.gather [hbm4b:s22+s2], $0x100, $0x38;
	[tilespmem:$0x18300] =	vst v63  }
0x97: {  	_ =	swait.ge [sflag:s4], $0x100  }
0x98: {  	[sflag:s4] =	ssyncset.done $0x0  }
0x99: {  	[sflag:s4] =	ssyncadd.s32 $0xFFFFFF00  }
0x9a: {  	[tilespmem:s11], [sflag:$0x3] =	stream.indirect.gather [hbm4b:s5+s6], $0x80, s10, s6, $0xb8;
	[tilespmem:$0x18300] =	vst v63  }
0x9b: {  	_ =	swait.ge [sflag:s12], $0x8000  }
0x9c: {  	s23 =	sshll.u32 s23, $0x4;
	[sflag:s12] =	ssyncset.done $0x0  }
0x9d: {  	s23 =	sadd.s32 s31, s23;
	[sflag:s12] =	ssyncadd.s32 $0xFFFF8000  }
0x9e: {  	[hbm4b:s23+s2] =	stream.linear.scatter [tilespmem:s8], [sflag:$0x5], $0x8000, $0x38;
	[tilespmem:$0x18300] =	vst v63  }
0x9f: {  	s28 =	sadd.s32 $0xC00, s30;
	_ =	swait.ge [sflag:s13], $0x8000  }
0xa0: {  	s24 =	sshrl.u32 s28, $0x3;
	[sflag:s13] =	ssyncset.done $0x0  }
0xa1: {  	s24 =	sadd.s32 s29, s24;
	[sflag:s13] =	ssyncadd.s32 $0xFFFF8000  }
0xa2: {  	[tilespmem:s3], [sflag:$0x7] =	stream.linear.gather [hbm4b:s24+s2], $0x100, $0x38;
	[tilespmem:$0x18300] =	vst v63  }
0xa3: {  	_ =	swait.ge [sflag:s4], $0x100  }
0xa4: {  	[sflag:s4] =	ssyncset.done $0x0  }
0xa5: {  	[sflag:s4] =	ssyncadd.s32 $0xFFFFFF00  }
0xa6: {  	[tilespmem:s2], [sflag:$0x1] =	stream.indirect.gather [hbm4b:s5+s6], $0x80, s3, s6, $0xb8;
	[tilespmem:$0x18300] =	vst v63  }
0xa7: {  	_ =	swait.ge [sflag:s14], $0x8000  }
0xa8: {  	s25 =	sshll.u32 s25, $0x4;
	[sflag:s14] =	ssyncset.done $0x0  }
0xa9: {  	s25 =	sadd.s32 s31, s25;
	[sflag:s14] =	ssyncadd.s32 $0xFFFF8000  }
0xaa: {  	[hbm4b:s25+s2] =	stream.linear.scatter [tilespmem:s11], [sflag:$0x6], $0x8000, $0x38;
	[tilespmem:$0x18300] =	vst v63  }
0xab: {  	s0 =	sadd.s32 $0xD00, s30;
	_ =	swait.ge [sflag:s15], $0x8000  }
0xac: {  	s26 =	sshrl.u32 s0, $0x3;
	[sflag:s15] =	ssyncset.done $0x0  }
0xad: {  	s26 =	sadd.s32 s29, s26;
	[sflag:s15] =	ssyncadd.s32 $0xFFFF8000  }
0xae: {  	[tilespmem:s7], [sflag:$0x7] =	stream.linear.gather [hbm4b:s26+s2], $0x100, $0x38;
	[tilespmem:$0x18300] =	vst v63  }
0xaf: {  	_ =	swait.ge [sflag:s4], $0x100  }
0xb0: {  	[sflag:s4] =	ssyncset.done $0x0  }
0xb1: {  	[sflag:s4] =	ssyncadd.s32 $0xFFFFFF00  }
0xb2: {  	[tilespmem:s8], [sflag:$0x2] =	stream.indirect.gather [hbm4b:s5+s6], $0x80, s7, s6, $0xb8;
	[tilespmem:$0x18300] =	vst v63  }
0xb3: {  	_ =	swait.ge [sflag:s9], $0x8000  }
0xb4: {  	s28 =	sshll.u32 s28, $0x4;
	[sflag:s9] =	ssyncset.done $0x0  }
0xb5: {  	s28 =	sadd.s32 s31, s28;
	[sflag:s9] =	ssyncadd.s32 $0xFFFF8000  }
0xb6: {  	[hbm4b:s28+s2] =	stream.linear.scatter [tilespmem:s2], [sflag:$0x4], $0x8000, $0x38;
	[tilespmem:$0x18300] =	vst v63  }
0xb7: {  	s17 =	sadd.s32 $0xE00, s30;
	_ =	swait.ge [sflag:s16], $0x8000  }
0xb8: {  	s30 =	sshrl.u32 s17, $0x3;
	[sflag:s16] =	ssyncset.done $0x0  }
0xb9: {  	s29 =	sadd.s32 s29, s30;
	[sflag:s16] =	ssyncadd.s32 $0xFFFF8000  }
0xba: {  	[tilespmem:s10], [sflag:$0x7] =	stream.linear.gather [hbm4b:s29+s2], $0x100, $0x38;
	[tilespmem:$0x18300] =	vst v63  }
0xbb: {  	_ =	swait.ge [sflag:s4], $0x100  }
0xbc: {  	[sflag:s4] =	ssyncset.done $0x0  }
0xbd: {  	[sflag:s4] =	ssyncadd.s32 $0xFFFFFF00  }
0xbe: {  	[tilespmem:s11], [sflag:$0x3] =	stream.indirect.gather [hbm4b:s5+s6], $0x80, s10, s6, $0xb8;
	[tilespmem:$0x18300] =	vst v63  }
0xbf: {  	_ =	swait.ge [sflag:s12], $0x8000  }
0xc0: {  	s1 =	sshll.u32 s0, $0x4;
	[sflag:s12] =	ssyncset.done $0x0  }
0xc1: {  	s30 =	sadd.s32 s31, s1;
	[sflag:s12] =	ssyncadd.s32 $0xFFFF8000  }
0xc2: {  	[hbm4b:s30+s2] =	stream.linear.scatter [tilespmem:s8], [sflag:$0x5], $0x8000, $0x38;
	[tilespmem:$0x18300] =	vst v63  }
0xc3: {  	_ =	swait.ge [sflag:s14], $0x8000  }
0xc4: {  	s0 =	sshll.u32 s17, $0x4;
	[sflag:s14] =	ssyncset.done $0x0  }
0xc5: {  	s31 =	sadd.s32 s31, s0;
	[sflag:s14] =	ssyncadd.s32 $0xFFFF8000  }
0xc6: {  	[hbm4b:s31+s2] =	stream.linear.scatter [tilespmem:s11], [sflag:$0x6], $0x8000, $0x38;
	[tilespmem:$0x18300] =	vst v63  }
0xc7: {  	_ =	swait.ge [sflag:s13], $0x8000  }
0xc8: {  	s1 =	rddreg [dreg:$0x14]  }
0xc9: {  	s0 =	ssub.s32 $0x2, s1  }
0xca: {  	s17 =	sshrl.u32 s0, $0x1  }
0xcb: {  	s0 =	ssub.s32 s0, s17  }
0xcc: {  	s0 =	smax.u32 s0, $0x1  }
0xcd: {  	[sflag:s13] =	ssyncset.done $0x0;
	p0 =	sne.s32 s0, $0x1  }
.Ltmp0:
0xce: {  	[sflag:s13] =	ssyncadd.s32 $0xFFFF8000;
	(pc) =	sbr.rel @!p0 .LBB2_2-.Ltmp0, $4  }
0xcf: {  	_ =	swait.ge [sflag:s15], $0x8000  }
0xd0: {  	[sflag:s15] =	ssyncset.done $0x0  }
0xd1: {  	[sflag:s15] =	ssyncadd.s32 $0xFFFF8000  }
0xd2: {  	s1 =	sadd.s32 $0xFFFFFFFF, s0;
	_ =	swait.ge [sflag:s16], $0x8000  }
.LBB2_1:
0xd3: {  	[sflag:s16] =	ssyncset.done $0x0  }
0xd4: {  	s0 =	rddreg [dreg:$0x3];
	[sflag:s16] =	ssyncadd.s32 $0xFFFF8000  }
0xd5: {  	[tilespmem:s3], [sflag:$0x7] =	stream.linear.gather [hbm4b:s0+s2], $0x100, $0x38;
	[tilespmem:$0x18300] =	vst v63  }
0xd6: {  	_ =	swait.ge [sflag:s4], $0x100  }
0xd7: {  	[sflag:s4] =	ssyncset.done $0x0  }
0xd8: {  	[sflag:s4] =	ssyncadd.s32 $0xFFFFFF00  }
0xd9: {  	[tilespmem:s2], [sflag:$0x1] =	stream.indirect.gather [hbm4b:s5+s6], $0x80, s3, s6, $0xb8;
	[tilespmem:$0x18300] =	vst v63  }
0xda: {  	s17 =	rddreg [dreg:$0x4]  }
0xdb: {  	[tilespmem:s7], [sflag:$0x7] =	stream.linear.gather [hbm4b:s17+s2], $0x100, $0x38;
	[tilespmem:$0x18300] =	vst v63  }
0xdc: {  	_ =	swait.ge [sflag:s4], $0x100  }
0xdd: {  	[sflag:s4] =	ssyncset.done $0x0  }
0xde: {  	[sflag:s4] =	ssyncadd.s32 $0xFFFFFF00  }
0xdf: {  	[tilespmem:s8], [sflag:$0x2] =	stream.indirect.gather [hbm4b:s5+s6], $0x80, s7, s6, $0xb8;
	[tilespmem:$0x18300] =	vst v63  }
0xe0: {  	_ =	swait.ge [sflag:s9], $0x8000  }
0xe1: {  	[sflag:s9] =	ssyncset.done $0x0  }
0xe2: {  	s0 =	rddreg [dreg:$0x5];
	[sflag:s9] =	ssyncadd.s32 $0xFFFF8000  }
0xe3: {  	[hbm4b:s0+s2] =	stream.linear.scatter [tilespmem:s2], [sflag:$0x4], $0x8000, $0x38;
	[tilespmem:$0x18300] =	vst v63  }
0xe4: {  	s17 =	rddreg [dreg:$0x6]  }
0xe5: {  	[tilespmem:s10], [sflag:$0x7] =	stream.linear.gather [hbm4b:s17+s2], $0x100, $0x38;
	[tilespmem:$0x18300] =	vst v63  }
0xe6: {  	_ =	swait.ge [sflag:s4], $0x100  }
0xe7: {  	[sflag:s4] =	ssyncset.done $0x0  }
0xe8: {  	[sflag:s4] =	ssyncadd.s32 $0xFFFFFF00  }
0xe9: {  	[tilespmem:s11], [sflag:$0x3] =	stream.indirect.gather [hbm4b:s5+s6], $0x80, s10, s6, $0xb8;
	[tilespmem:$0x18300] =	vst v63  }
0xea: {  	_ =	swait.ge [sflag:s12], $0x8000  }
0xeb: {  	[sflag:s12] =	ssyncset.done $0x0  }
0xec: {  	s17 =	rddreg [dreg:$0x7];
	[sflag:s12] =	ssyncadd.s32 $0xFFFF8000  }
0xed: {  	[hbm4b:s17+s2] =	stream.linear.scatter [tilespmem:s8], [sflag:$0x5], $0x8000, $0x38;
	[tilespmem:$0x18300] =	vst v63  }
0xee: {  	_ =	swait.ge [sflag:s13], $0x8000  }
0xef: {  	[sflag:s13] =	ssyncset.done $0x0  }
0xf0: {  	s17 =	rddreg [dreg:$0x8];
	[sflag:s13] =	ssyncadd.s32 $0xFFFF8000  }
0xf1: {  	[tilespmem:s3], [sflag:$0x7] =	stream.linear.gather [hbm4b:s17+s2], $0x100, $0x38;
	[tilespmem:$0x18300] =	vst v63  }
0xf2: {  	_ =	swait.ge [sflag:s4], $0x100  }
0xf3: {  	[sflag:s4] =	ssyncset.done $0x0  }
0xf4: {  	[sflag:s4] =	ssyncadd.s32 $0xFFFFFF00  }
0xf5: {  	[tilespmem:s2], [sflag:$0x1] =	stream.indirect.gather [hbm4b:s5+s6], $0x80, s3, s6, $0xb8;
	[tilespmem:$0x18300] =	vst v63  }
0xf6: {  	_ =	swait.ge [sflag:s14], $0x8000  }
0xf7: {  	[sflag:s14] =	ssyncset.done $0x0  }
0xf8: {  	s17 =	rddreg [dreg:$0x9];
	[sflag:s14] =	ssyncadd.s32 $0xFFFF8000  }
0xf9: {  	[hbm4b:s17+s2] =	stream.linear.scatter [tilespmem:s11], [sflag:$0x6], $0x8000, $0x38;
	[tilespmem:$0x18300] =	vst v63  }
0xfa: {  	_ =	swait.ge [sflag:s15], $0x8000  }
0xfb: {  	[sflag:s15] =	ssyncset.done $0x0  }
0xfc: {  	s17 =	rddreg [dreg:$0xa];
	[sflag:s15] =	ssyncadd.s32 $0xFFFF8000  }
0xfd: {  	[tilespmem:s7], [sflag:$0x7] =	stream.linear.gather [hbm4b:s17+s2], $0x100, $0x38;
	[tilespmem:$0x18300] =	vst v63  }
0xfe: {  	_ =	swait.ge [sflag:s4], $0x100  }
0xff: {  	[sflag:s4] =	ssyncset.done $0x0  }
0x100: {  	[sflag:s4] =	ssyncadd.s32 $0xFFFFFF00  }
0x101: {  	[tilespmem:s8], [sflag:$0x2] =	stream.indirect.gather [hbm4b:s5+s6], $0x80, s7, s6, $0xb8;
	[tilespmem:$0x18300] =	vst v63  }
0x102: {  	_ =	swait.ge [sflag:s9], $0x8000  }
0x103: {  	[sflag:s9] =	ssyncset.done $0x0  }
0x104: {  	s17 =	rddreg [dreg:$0xb];
	[sflag:s9] =	ssyncadd.s32 $0xFFFF8000  }
0x105: {  	[hbm4b:s17+s2] =	stream.linear.scatter [tilespmem:s2], [sflag:$0x4], $0x8000, $0x38;
	[tilespmem:$0x18300] =	vst v63  }
0x106: {  	_ =	swait.ge [sflag:s16], $0x8000  }
0x107: {  	[sflag:s16] =	ssyncset.done $0x0  }
0x108: {  	s17 =	rddreg [dreg:$0xc];
	[sflag:s16] =	ssyncadd.s32 $0xFFFF8000  }
0x109: {  	[tilespmem:s10], [sflag:$0x7] =	stream.linear.gather [hbm4b:s17+s2], $0x100, $0x38;
	[tilespmem:$0x18300] =	vst v63  }
0x10a: {  	_ =	swait.ge [sflag:s4], $0x100  }
0x10b: {  	[sflag:s4] =	ssyncset.done $0x0  }
0x10c: {  	[sflag:s4] =	ssyncadd.s32 $0xFFFFFF00  }
0x10d: {  	[tilespmem:s11], [sflag:$0x3] =	stream.indirect.gather [hbm4b:s5+s6], $0x80, s10, s6, $0xb8;
	[tilespmem:$0x18300] =	vst v63  }
0x10e: {  	_ =	swait.ge [sflag:s12], $0x8000  }
0x10f: {  	[sflag:s12] =	ssyncset.done $0x0  }
0x110: {  	s17 =	rddreg [dreg:$0xd];
	[sflag:s12] =	ssyncadd.s32 $0xFFFF8000  }
0x111: {  	[hbm4b:s17+s2] =	stream.linear.scatter [tilespmem:s8], [sflag:$0x5], $0x8000, $0x38;
	[tilespmem:$0x18300] =	vst v63  }
0x112: {  	_ =	swait.ge [sflag:s13], $0x8000  }
0x113: {  	[sflag:s13] =	ssyncset.done $0x0  }
0x114: {  	s17 =	rddreg [dreg:$0xe];
	[sflag:s13] =	ssyncadd.s32 $0xFFFF8000  }
0x115: {  	[tilespmem:s3], [sflag:$0x7] =	stream.linear.gather [hbm4b:s17+s2], $0x100, $0x38;
	[tilespmem:$0x18300] =	vst v63  }
0x116: {  	_ =	swait.ge [sflag:s4], $0x100  }
0x117: {  	[sflag:s4] =	ssyncset.done $0x0  }
0x118: {  	[sflag:s4] =	ssyncadd.s32 $0xFFFFFF00  }
0x119: {  	[tilespmem:s2], [sflag:$0x1] =	stream.indirect.gather [hbm4b:s5+s6], $0x80, s3, s6, $0xb8;
	[tilespmem:$0x18300] =	vst v63  }
0x11a: {  	_ =	swait.ge [sflag:s14], $0x8000  }
0x11b: {  	[sflag:s14] =	ssyncset.done $0x0  }
0x11c: {  	s17 =	rddreg [dreg:$0xf];
	[sflag:s14] =	ssyncadd.s32 $0xFFFF8000  }
0x11d: {  	[hbm4b:s17+s2] =	stream.linear.scatter [tilespmem:s11], [sflag:$0x6], $0x8000, $0x38;
	[tilespmem:$0x18300] =	vst v63  }
0x11e: {  	_ =	swait.ge [sflag:s15], $0x8000  }
0x11f: {  	[sflag:s15] =	ssyncset.done $0x0  }
0x120: {  	s17 =	rddreg [dreg:$0x10];
	[sflag:s15] =	ssyncadd.s32 $0xFFFF8000  }
0x121: {  	[tilespmem:s7], [sflag:$0x7] =	stream.linear.gather [hbm4b:s17+s2], $0x100, $0x38;
	[tilespmem:$0x18300] =	vst v63  }
0x122: {  	_ =	swait.ge [sflag:s4], $0x100  }
0x123: {  	[sflag:s4] =	ssyncset.done $0x0  }
0x124: {  	[sflag:s4] =	ssyncadd.s32 $0xFFFFFF00  }
0x125: {  	[tilespmem:s8], [sflag:$0x2] =	stream.indirect.gather [hbm4b:s5+s6], $0x80, s7, s6, $0xb8;
	[tilespmem:$0x18300] =	vst v63  }
0x126: {  	_ =	swait.ge [sflag:s9], $0x8000  }
0x127: {  	[sflag:s9] =	ssyncset.done $0x0  }
0x128: {  	s17 =	rddreg [dreg:$0x11];
	[sflag:s9] =	ssyncadd.s32 $0xFFFF8000  }
0x129: {  	[hbm4b:s17+s2] =	stream.linear.scatter [tilespmem:s2], [sflag:$0x4], $0x8000, $0x38;
	[tilespmem:$0x18300] =	vst v63  }
0x12a: {  	_ =	swait.ge [sflag:s16], $0x8000  }
0x12b: {  	[sflag:s16] =	ssyncset.done $0x0  }
0x12c: {  	s17 =	rddreg [dreg:$0x12];
	[sflag:s16] =	ssyncadd.s32 $0xFFFF8000  }
0x12d: {  	[tilespmem:s10], [sflag:$0x7] =	stream.linear.gather [hbm4b:s17+s2], $0x100, $0x38;
	[tilespmem:$0x18300] =	vst v63  }
0x12e: {  	_ =	swait.ge [sflag:s4], $0x100  }
0x12f: {  	[sflag:s4] =	ssyncset.done $0x0  }
0x130: {  	[sflag:s4] =	ssyncadd.s32 $0xFFFFFF00  }
0x131: {  	[tilespmem:s11], [sflag:$0x3] =	stream.indirect.gather [hbm4b:s5+s6], $0x80, s10, s6, $0xb8;
	[tilespmem:$0x18300] =	vst v63  }
0x132: {  	_ =	swait.ge [sflag:s12], $0x8000  }
0x133: {  	[sflag:s12] =	ssyncset.done $0x0  }
0x134: {  	s17 =	rddreg [dreg:$0x13];
	[sflag:s12] =	ssyncadd.s32 $0xFFFF8000  }
0x135: {  	[hbm4b:s17+s2] =	stream.linear.scatter [tilespmem:s8], [sflag:$0x5], $0x8000, $0x38;
	[tilespmem:$0x18300] =	vst v63  }
0x136: {  	_ =	swait.ge [sflag:s13], $0x8000  }
0x137: {  	[sflag:s13] =	ssyncset.done $0x0  }
0x138: {  	[sflag:s13] =	ssyncadd.s32 $0xFFFF8000  }
0x139: {  	[tilespmem:s3], [sflag:$0x7] =	stream.linear.gather [hbm4b:s18+s2], $0x100, $0x38;
	[tilespmem:$0x18300] =	vst v63  }
0x13a: {  	_ =	swait.ge [sflag:s4], $0x100  }
0x13b: {  	[sflag:s4] =	ssyncset.done $0x0  }
0x13c: {  	[sflag:s4] =	ssyncadd.s32 $0xFFFFFF00  }
0x13d: {  	[tilespmem:s2], [sflag:$0x1] =	stream.indirect.gather [hbm4b:s5+s6], $0x80, s3, s6, $0xb8;
	[tilespmem:$0x18300] =	vst v63  }
0x13e: {  	_ =	swait.ge [sflag:s14], $0x8000  }
0x13f: {  	[sflag:s14] =	ssyncset.done $0x0  }
0x140: {  	[sflag:s14] =	ssyncadd.s32 $0xFFFF8000  }
0x141: {  	[hbm4b:s19+s2] =	stream.linear.scatter [tilespmem:s11], [sflag:$0x6], $0x8000, $0x38;
	[tilespmem:$0x18300] =	vst v63  }
0x142: {  	_ =	swait.ge [sflag:s15], $0x8000  }
0x143: {  	[sflag:s15] =	ssyncset.done $0x0  }
0x144: {  	[sflag:s15] =	ssyncadd.s32 $0xFFFF8000  }
0x145: {  	[tilespmem:s7], [sflag:$0x7] =	stream.linear.gather [hbm4b:s20+s2], $0x100, $0x38;
	[tilespmem:$0x18300] =	vst v63  }
0x146: {  	_ =	swait.ge [sflag:s4], $0x100  }
0x147: {  	[sflag:s4] =	ssyncset.done $0x0  }
0x148: {  	[sflag:s4] =	ssyncadd.s32 $0xFFFFFF00  }
0x149: {  	[tilespmem:s8], [sflag:$0x2] =	stream.indirect.gather [hbm4b:s5+s6], $0x80, s7, s6, $0xb8;
	[tilespmem:$0x18300] =	vst v63  }
0x14a: {  	_ =	swait.ge [sflag:s9], $0x8000  }
0x14b: {  	[sflag:s9] =	ssyncset.done $0x0  }
0x14c: {  	[sflag:s9] =	ssyncadd.s32 $0xFFFF8000  }
0x14d: {  	[hbm4b:s21+s2] =	stream.linear.scatter [tilespmem:s2], [sflag:$0x4], $0x8000, $0x38;
	[tilespmem:$0x18300] =	vst v63  }
0x14e: {  	_ =	swait.ge [sflag:s16], $0x8000  }
0x14f: {  	[sflag:s16] =	ssyncset.done $0x0  }
0x150: {  	[sflag:s16] =	ssyncadd.s32 $0xFFFF8000  }
0x151: {  	[tilespmem:s10], [sflag:$0x7] =	stream.linear.gather [hbm4b:s22+s2], $0x100, $0x38;
	[tilespmem:$0x18300] =	vst v63  }
0x152: {  	_ =	swait.ge [sflag:s4], $0x100  }
0x153: {  	[sflag:s4] =	ssyncset.done $0x0  }
0x154: {  	[sflag:s4] =	ssyncadd.s32 $0xFFFFFF00  }
0x155: {  	[tilespmem:s11], [sflag:$0x3] =	stream.indirect.gather [hbm4b:s5+s6], $0x80, s10, s6, $0xb8;
	[tilespmem:$0x18300] =	vst v63  }
0x156: {  	_ =	swait.ge [sflag:s12], $0x8000  }
0x157: {  	[sflag:s12] =	ssyncset.done $0x0  }
0x158: {  	[sflag:s12] =	ssyncadd.s32 $0xFFFF8000  }
0x159: {  	[hbm4b:s23+s2] =	stream.linear.scatter [tilespmem:s8], [sflag:$0x5], $0x8000, $0x38;
	[tilespmem:$0x18300] =	vst v63  }
0x15a: {  	_ =	swait.ge [sflag:s13], $0x8000  }
0x15b: {  	[sflag:s13] =	ssyncset.done $0x0  }
0x15c: {  	[sflag:s13] =	ssyncadd.s32 $0xFFFF8000  }
0x15d: {  	[tilespmem:s3], [sflag:$0x7] =	stream.linear.gather [hbm4b:s24+s2], $0x100, $0x38;
	[tilespmem:$0x18300] =	vst v63  }
0x15e: {  	_ =	swait.ge [sflag:s4], $0x100  }
0x15f: {  	[sflag:s4] =	ssyncset.done $0x0  }
0x160: {  	[sflag:s4] =	ssyncadd.s32 $0xFFFFFF00  }
0x161: {  	[tilespmem:s2], [sflag:$0x1] =	stream.indirect.gather [hbm4b:s5+s6], $0x80, s3, s6, $0xb8;
	[tilespmem:$0x18300] =	vst v63  }
0x162: {  	_ =	swait.ge [sflag:s14], $0x8000  }
0x163: {  	[sflag:s14] =	ssyncset.done $0x0  }
0x164: {  	[sflag:s14] =	ssyncadd.s32 $0xFFFF8000  }
0x165: {  	[hbm4b:s25+s2] =	stream.linear.scatter [tilespmem:s11], [sflag:$0x6], $0x8000, $0x38;
	[tilespmem:$0x18300] =	vst v63  }
0x166: {  	_ =	swait.ge [sflag:s15], $0x8000  }
0x167: {  	[sflag:s15] =	ssyncset.done $0x0  }
0x168: {  	[sflag:s15] =	ssyncadd.s32 $0xFFFF8000  }
0x169: {  	[tilespmem:s7], [sflag:$0x7] =	stream.linear.gather [hbm4b:s26+s2], $0x100, $0x38;
	[tilespmem:$0x18300] =	vst v63  }
0x16a: {  	_ =	swait.ge [sflag:s4], $0x100  }
0x16b: {  	[sflag:s4] =	ssyncset.done $0x0  }
0x16c: {  	[sflag:s4] =	ssyncadd.s32 $0xFFFFFF00  }
0x16d: {  	[tilespmem:s8], [sflag:$0x2] =	stream.indirect.gather [hbm4b:s5+s6], $0x80, s7, s6, $0xb8;
	[tilespmem:$0x18300] =	vst v63  }
0x16e: {  	_ =	swait.ge [sflag:s9], $0x8000  }
0x16f: {  	[sflag:s9] =	ssyncset.done $0x0  }
0x170: {  	[sflag:s9] =	ssyncadd.s32 $0xFFFF8000  }
0x171: {  	[hbm4b:s28+s2] =	stream.linear.scatter [tilespmem:s2], [sflag:$0x4], $0x8000, $0x38;
	[tilespmem:$0x18300] =	vst v63  }
0x172: {  	_ =	swait.ge [sflag:s16], $0x8000  }
0x173: {  	[sflag:s16] =	ssyncset.done $0x0  }
0x174: {  	[sflag:s16] =	ssyncadd.s32 $0xFFFF8000  }
0x175: {  	[tilespmem:s10], [sflag:$0x7] =	stream.linear.gather [hbm4b:s29+s2], $0x100, $0x38;
	[tilespmem:$0x18300] =	vst v63  }
0x176: {  	_ =	swait.ge [sflag:s4], $0x100  }
0x177: {  	[sflag:s4] =	ssyncset.done $0x0  }
0x178: {  	[sflag:s4] =	ssyncadd.s32 $0xFFFFFF00  }
0x179: {  	[tilespmem:s11], [sflag:$0x3] =	stream.indirect.gather [hbm4b:s5+s6], $0x80, s10, s6, $0xb8;
	[tilespmem:$0x18300] =	vst v63  }
0x17a: {  	_ =	swait.ge [sflag:s12], $0x8000  }
0x17b: {  	[sflag:s12] =	ssyncset.done $0x0  }
0x17c: {  	[sflag:s12] =	ssyncadd.s32 $0xFFFF8000  }
0x17d: {  	[hbm4b:s30+s2] =	stream.linear.scatter [tilespmem:s8], [sflag:$0x5], $0x8000, $0x38;
	[tilespmem:$0x18300] =	vst v63  }
0x17e: {  	_ =	swait.ge [sflag:s14], $0x8000  }
0x17f: {  	[sflag:s14] =	ssyncset.done $0x0  }
0x180: {  	[sflag:s14] =	ssyncadd.s32 $0xFFFF8000  }
0x181: {  	[hbm4b:s31+s2] =	stream.linear.scatter [tilespmem:s11], [sflag:$0x6], $0x8000, $0x38;
	[tilespmem:$0x18300] =	vst v63  }
0x182: {  	_ =	swait.ge [sflag:s13], $0x8000  }
0x183: {  	p0 =	sne.s32 s1, $0x1;
	[sflag:s13] =	ssyncset.done $0x0  }
.Ltmp1:
0x184: {  	[sflag:s13] =	ssyncadd.s32 $0xFFFF8000;
	(pc) =	sbr.rel @p0 .LBB2_1-.Ltmp1, $4  }
0x185: {  	_ =	swait.ge [sflag:s15], $0x8000  }
0x186: {  	[sflag:s15] =	ssyncset.done $0x0  }
0x187: {  	[sflag:s15] =	ssyncadd.s32 $0xFFFF8000  }
0x188: {  	s1 =	sadd.s32 $0xFFFFFFFF, s1;
	_ =	swait.ge [sflag:s16], $0x8000  }
.LBB2_2:
0x189: {  	[sflag:s16] =	ssyncset.done $0x0  }
0x18a: {  	[sflag:s16] =	ssyncadd.s32 $0xFFFF8000  }
0x18b: {  	_ =	sfence.sel $0x180000  }
0x18c: {  	[bflag:$0x0] =	sbarrier.arrive $0xFFFF  }
0x18d: {  	_ =	strace $0x9000004A  }
0x18e: {  	s0 =	stileid.u32;
	[bflag:$0x2] =	sbarrier.arrive $0xFFFF  }
0x18f: {  	p0 =	sne.s32 s0, $0x0;
	s0 =	rddreg [dreg:$0x2]  }
0x190: {  	s0 =	sadd.s32 @!p0 $0x100000, s0  }
0x191: {  	[sflag:s0] =	ssyncadd.tile.s32 @!p0 $0x1;
	_ =	shalt  }
.Lfunc_end2:
_tile_overlayer_lowered:
.L_overlay_start_2:
0x192: {  	(tag) =	ssettag $0x2  }
0x193: {  	s0 =	rddreg [dreg:$0x0];
	s2 =	stileid.u32  }
0x194: {  	s1 =	rddreg [dreg:$0x1];
	p0 =	sne.s32 s2, $0x0  }
0x195: {  	s3 =	rddreg [dreg:$0x2];
	[bflag:$0x3] =	sbarrier.arrive $0xFFFF;
	s2 =	simm.s32 @!p0 $0x1C07  }
0x196: {  	[timem:s3], [sflag:s2] =	dma.local @!p0 [hbm:s0], s1  }
0x197: {  	s0 =	simm.s32 @!p0 $0x7  }
0x198: {  	_ =	swait.ge @!p0 [sflag:s0], s1  }
0x199: {  	s1 =	ssub.s32 @!p0 $0x0, s1;
	[sflag:s0] =	ssyncset.done @!p0 $0x0  }
0x19a: {  	[sflag:s0] =	ssyncadd.s32 @!p0 s1  }
0x19b: {  	[bflag:$0x3] =	sbarrier.arrive $0xFFFF  }
0x19c: {  	_ =	shalt  }

// kernel: sparse-core-data-format-call.1.cloned.1.call-start
scs
called_computation.1_lowered:
.L_overlay_start_0:
0x0: {  	s2 =	sld [smem:$0x3FD9]  }
0x1: {  	s3 =	sld [smem:$0x3FFE];
	_ =	sdelay $0x1  }
0x2: {  	s1 =	srdreg.scid  }
0x3: {  	s0 =	sand.u32 $0x1, s1  }
0x4: {  	s18 =	sshll.u32 s0, $0xA;
	s2 =	sadd.s32 s3, s2  }
0x5: {  	s2 =	sadd.s32 s2, s18  }
0x6: {  	[smem:$0x3FC7] =	sst s2  }
0x7: {  	_ = 	snop  }
0x8: {  	s2 =	sld [smem:$0x3FC9];
	(tm) =	ssettm $0x1  }
0x9: {  	s19 =	sld [smem:$0x3FFB];
	_ =	sdelay $0x3  }
0xa: {  	_ =	strace s19  }
0xb: {  	s3 =	sld [smem:$0x3FFC];
	_ =	sdelay $0x3  }
0xc: {  	_ =	strace s3  }
0xd: {  	s3 =	sld [smem:$0x3FFD];
	_ =	sdelay $0x3  }
0xe: {  	_ =	strace s3  }
0xf: {  	_ =	strace $0x8FFFFFFF  }
0x10: {  	s20 =	sld [smem:$0x3FDB];
	_ =	sdelay $0x1  }
0x11: {  	s4 =	simm.s32 $_scs_section_size  }
0x12: {  	s5 =	simm.s32 $_size__tile_overlayer_lowered;
	s6 =	simm.s32 $_tile_overlayer_lowered  }
0x13: {  	s23 =	simm.s32 $0x1BFF;
	s22 =	sshll.u32 s6, $0x1;
	s3 =	sadd.s32 s4, s20  }
0x14: {  	s7 =	simm.s32 $0x0;
	s21 =	sshll.u32 s5, $0x1;
	s5 =	sadd.s32 s22, s3  }
0x15: {  	[timem:s7], [sflag:s23] =	dma.local [hbm:s5], s21  }
0x16: {  	_ =	swait.ge [sflag:s23], s21  }
0x17: {  	s4 =	ssub.s32 $0x0, s21;
	[sflag:s23] =	ssyncset.done $0x0  }
0x18: {  	[sflag:s23] =	ssyncadd.s32 s4;
	_ =	sdelay $0x1  }
0x19: {  	s24 =	simm.s32 $0x1B8B  }
0x1a: {  	_ =	swait.ge [sflag:s24], $0x1  }
0x1b: {  	[sflag:s24] =	ssyncset.done $0x0  }
0x1c: {  	s26 =	simm.s32 $0x1B8E;
	s25 =	sld [smem:$0x3FFE];
	[sflag:s24] =	ssyncadd.s32 $0xFFFFFFFF  }
0x1d: {  	s27 =	simm.s32 $execute0_lowered;
	[smem:$0x3FD2] =	sst s26  }
0x1e: {  	s5 =	sshll.u32 s27, $0x1;
	_ =	strace $0x80000046;
	[dreg:$0x1] =	wrdreg $0xFFFFFFFF  }
0x1f: {  	s28 =	simm.s32 $_size_execute0_lowered;
	s3 =	sadd.s32 s3, s5;
	[dreg:$0x0] =	wrdreg $0x0  }
0x20: {  	s5 =	sshll.u32 s28, $0x1;
	[dreg:$0x2] =	wrdreg s3  }
0x21: {  	[dreg:$0x3] =	wrdreg s5  }
0x22: {  	[dreg:$0x4] =	wrdreg $0xC0  }
0x23: {  	_ =	task [dreg:s7], $0x5FFFF  }
0x24: {  	[dreg:$0x1] =	wrdreg $0xFFFFFFFF  }
0x25: {  	[dreg:$0x0] =	wrdreg $0x60  }
0x26: {  	[dreg:$0x2] =	wrdreg s2  }
0x27: {  	[dreg:$0x3] =	wrdreg s25  }
0x28: {  	[dreg:$0x4] =	wrdreg $0x9  }
0x29: {  	_ =	task.clear_ibuf [dreg:s7], $0x5FFFF;
	_ =	strace $0x90000046  }
0x2a: {  	s29 =	simm.s32 $0x9;
	_ =	strace $0x80000048  }
0x2b: {  	_ =	swait.ge [sflag:s29], $0x1  }
0x2c: {  	[sflag:s29] =	ssyncadd.s32 $0xFFFFFFFF  }
0x2d: {  	_ =	strace $0x90000048  }
0x2e: {  	_ =	sfence  }
0x2f: {  	s30 =	sld [smem:$0x0];
	_ =	sdelay $0x2  }
0x30: {  	s31 =	sshll.u32 s1, $0xD;
	s1 =	sshrl.u32 s1, $0x2  }
0x31: {  	s3 =	sand.u32 $0x4000, s31;
	s1 =	sadd.s32 s1, s30  }
0x32: {  	s0 =	sor.u32 s3, s0;
	s1 =	sshll.u32 s1, $0x11  }
0x33: {  	s0 =	sor.u32 s1, s0  }
0x34: {  	s0 =	sadd.s32 $0x8F2B, s0  }
0x35: {  	[sflag:s0] =	ssyncadd.remote.s32 $0x1  }
0x36: {  	_ =	sfence.sel $0xFFFF  }
0x37: {  	[dreg:$0x0] =	wrdreg $0xFFFFFFFF;
	(pc) =	sbr.abs _section_cstart, $3  }
0x38: {  	[dreg:$0x1] =	wrdreg $0xFFFFFFFF  }
0x39: {  	_ =	task.clear_ibuf [dreg:s7], $0x2FFFF;
	_ =	strace $0x9FFFFFFF  }
0x3a: {  	(tm) =	ssettm $0x7FFFFFFF  }
0x3b: {  	_ =	shalt  }
tec
execute0_lowered:
.L_overlay_start_1:
0x0: {  	(tag) =	ssettag $0x1  }
0x1: {  	s2 =	rddreg [dreg:$0x0]  }
0x2: {  	s1 =	rddreg [dreg:$0x1]  }
0x3: {  	s0 =	rddreg [dreg:$0x2];
	_ =	strace $0x80000047;
	s4 =	srdreg.scid  }
0x4: {  	s6 =	simm.s32 $0x2;
	s12 =	simm.s32 $0x0;
	p0 =	por $0x0, $0x0  }
.Ltmp0:
0x5: {  	s10 =	simm.s32 $0x0;
	s11 =	simm.s32 $0x0;
	(pc) =	sbr.rel .LBB1_1-.Ltmp0, $4  }
0x6: {  	s7 =	simm.s32 $0x0;
	s3 =	sadd.s32 $0x1200, s1;
	s5 =	sshll.u32 s4, $0x4  }
0x7: {  	s1 =	stileid.u32;
	s4 =	simm.s32 $0x1;
	s5 =	sand.u32 $0x10, s5  }
0x8: {  	s8 =	simm.s32 $0x0;
	[sflag:s4] =	ssyncpa.u1 $0x0;
	s5 =	sor.u32 s1, s5  }
0x9: {  	[sflag:s6] =	ssyncpa.u1 $0x0;
	s6 =	simm.s32 $0x0;
	s9 =	smov.u32 s5  }
.LBB1_5:
0xa: {  	s13 =	sadd.s32 $0x80, s7  }
0xb: {  	s10 =	sadd.s32 $0x80, s8;
	s14 =	smov.u32 s8;
	p2 =	sgt.s32 s13, $0x3FF  }
0xc: {  	s14 =	smov.u32 @p2 s10  }
0xd: {  	s16 =	smov.u32 s9;
	s10 =	sadd.s32 $0x20, s9;
	p3 =	sgt.s32 s14, $0x5F  }
0xe: {  	p1 =	slt.u32 s6, $0x2;
	s16 =	smov.u32 @p3 s10  }
0xf: {  	s6 =	sadd.s32 $0x1, s6;
	s13 =	simm.s32 @p2 $0x0;
	p2 =	sgt.s32 s16, $0x7F  }
0x10: {  	s16 =	smov.u32 @p2 s5;
	p2 =	sne.s32 s6, $0x22  }
.Ltmp1:
0x11: {  	s15 =	simm.s32 @!p1 $0x2;
	(pc) =	sbr.rel @!p2 .LBB1_6-.Ltmp1, $4  }
0x12: {  	s12 =	smov.u32 s7;
	_ =	swait.ge @!p1 [sflag:s15], $0x4000  }
0x13: {  	s11 =	smov.u32 s9;
	p0 =	por !p0, !p0;
	[sflag:s15] =	ssyncset.done @!p1 $0x0  }
0x14: {  	s7 =	smov.u32 s13;
	s14 =	simm.s32 @p3 $0x0;
	s10 =	smov.u32 s8  }
0x15: {  	[sflag:s15] =	ssyncadd.s32 @!p1 $0xFFFFC000;
	s8 =	smov.u32 s14;
	s9 =	smov.u32 s16  }
.LBB1_1:
0x16: {  	p1 =	sgt.u32 s6, $0x1F;
	s15 =	smov.u32 s9;
	s18 =	smov.u32 s7  }
0x17: {  	s13 =	sshll.u32 @!p1 s8, $0xA;
	p2 =	sgt.s32 @!p1 s9, $0x7F;
	s14 =	sshll.u32 @!p1 s7, $0x3  }
0x18: {  	s16 =	sshra.s32 @!p1 s9, $0x1F;
	s13 =	sand.u32 @!p1 $0xFFFFE000, s13;
	p2 =	por !p2, p1  }
0x19: {  	s15 =	simm.s32 @p2 $0x7F;
	p2 =	sgt.s32 @!p1 s8, $0xFFFFFFE0;
	s13 =	sadd.s32 @!p1 s13, s14  }
0x1a: {  	s14 =	sand.u32 @!p1 s16, s9;
	s16 =	smov.u32 s8;
	p2 =	por !p2, p1  }
0x1b: {  	s14 =	ssub.s32 @!p1 s15, s14;
	s16 =	simm.s32 @p2 $0xFFFFFFE0;
	p2 =	sgt.s32 @!p1 s7, $0x380  }
0x1c: {  	s17 =	sshra.s32 @!p1 s8, $0x1F;
	s15 =	sadd.s32 @!p1 $0xFFFFFF81, s14;
	p2 =	por !p2, p1  }
0x1d: {  	s18 =	simm.s32 @p2 $0x380;
	p2 =	sgt.s32 @!p1 s15, $0x0;
	s15 =	sand.u32 @!p1 s17, s8  }
0x1e: {  	s14 =	ssub.s32 @!p1 $0x80, s14;
	s15 =	ssub.s32 @!p1 s16, s15;
	s16 =	sshra.s32 @!p1 s7, $0x1F  }
0x1f: {  	p2 =	por !p2, p1;
	s17 =	sadd.s32 @!p1 $0x20, s15;
	s16 =	sand.u32 @!p1 s16, s7  }
0x20: {  	s14 =	simm.s32 @!p2 $0x0;
	p2 =	sgt.s32 @!p1 s17, $0x7F;
	s16 =	ssub.s32 @!p1 s18, s16  }
0x21: {  	s15 =	ssub.s32 @!p1 $0x60, s15;
	p2 =	por !p2, p1;
	s17 =	sadd.s32 @!p1 $0xFFFFFC80, s16  }
0x22: {  	s13 =	sshrl.u32 @!p1 s13, $0xA;
	s15 =	simm.s32 @!p2 $0x0;
	p2 =	sgt.s32 @!p1 s17, $0x7F  }
0x23: {  	s14 =	smul.u32 @!p1 s14, s15;
	s15 =	ssub.s32 @!p1 $0x400, s16;
	p2 =	por !p2, p1  }
0x24: {  	s18 =	sshll.u32 @!p1 s8, $0x7;
	s16 =	smulhi.u32 @!p1 $0x2AAAAAB, s13;
	s15 =	simm.s32 @!p2 $0x0  }
0x25: {  	s18 =	sand.u32 @!p1 $0x380, s18;
	s14 =	smul.u32 @!p1 s15, s14  }
0x26: {  	s17 =	sxor.u32 @!p1 $0xFFFFFFFF, s6;
	s15 =	sand.u32 @!p1 $0x78, s7;
	s16 =	smul.u32 @!p1 $0x60, s16  }
0x27: {  	s17 =	sshll.u32 @!p1 s17, $0xE;
	s15 =	sor.u32 @!p1 s15, s18;
	s18 =	smul.u32 @!p1 $0x3000, s9  }
0x28: {  	s17 =	sand.u32 @!p1 $0x4000, s17;
	s13 =	ssub.s32 @!p1 s13, s16;
	s14 =	sand.u32 @!p1 $0x3FFFFFFF, s14  }
0x29: {  	s15 =	sshrl.u32 @!p1 s15, $0x3;
	s16 =	sadd.s32 @!p1 s2, s18;
	s18 =	sand.u32 @!p1 $0x7, s7  }
0x2a: {  	s13 =	sshll.u32 @!p1 s13, $0x7;
	s15 =	sadd.s32 @!p1 s15, s16;
	s16 =	sshll.u32 @!p1 s18, $0x12  }
0x2b: {  	s13 =	sadd.s32 @!p1 s13, s15;
	s15 =	sor.u32 @!p1 $0x400, s16;
	s16 =	simm.s32 @!p1 $0x2000  }
0x2c: {  	[tilespmem:s17], [sflag:$0x1] =	stream.strided.gather @!p1 [hbm4b:s13+s15], s14, s16, s15, $0x38;
	[tilespmem:$0x10100] =	vst v63  }
0x2d: {  	p1 =	seq.s32 s6, $0x0  }
0x2e: {  	p2 =	seq.s32 @!p1 s6, $0x21  }
0x2f: {  	p1 =	por p1, p2  }
.Ltmp2:
0x30: {  	_ = 	snop;
	(pc) =	sbr.rel @p1 .LBB1_5-.Ltmp2, $1  }
0x31: {  	_ =	sdelay $0x3  }
0x32: {  	p1 =	sgt.s32 s11, $0x7F;
	s13 =	smov.u32 s11;
	s14 =	sshra.s32 s11, $0x1F  }
0x33: {  	s13 =	simm.s32 @!p1 $0x7F;
	s14 =	sand.u32 s14, s11  }
0x34: {  	s13 =	ssub.s32 s13, s14  }
0x35: {  	p2 =	sgt.s32 s10, $0xFFFFFFE0;
	s15 =	sshra.s32 s10, $0x1F;
	s14 =	sadd.s32 $0xFFFFFF81, s13  }
0x36: {  	s16 =	sshra.s32 s12, $0x1F;
	p1 =	sgt.s32 s14, $0x0;
	s14 =	smov.u32 s10  }
0x37: {  	s15 =	sand.u32 s15, s10;
	s16 =	sand.u32 s16, s12;
	s14 =	simm.s32 @!p2 $0xFFFFFFE0  }
0x38: {  	p2 =	sgt.s32 s12, $0x380;
	s14 =	ssub.s32 s14, s15;
	s15 =	smov.u32 s12  }
0x39: {  	s13 =	ssub.s32 $0x80, s13;
	s17 =	sadd.s32 $0x20, s14;
	s15 =	simm.s32 @!p2 $0x380  }
0x3a: {  	s14 =	ssub.s32 $0x60, s14;
	p2 =	sgt.s32 s17, $0x7F;
	s15 =	ssub.s32 s15, s16  }
0x3b: {  	s13 =	simm.s32 @p1 $0x0;
	s14 =	simm.s32 @p2 $0x0;
	s16 =	sadd.s32 $0xFFFFFC80, s15  }
0x3c: {  	s13 =	smul.u32 s13, s14;
	p1 =	sgt.s32 s16, $0x7F;
	s14 =	ssub.s32 $0x400, s15  }
0x3d: {  	s14 =	simm.s32 @p1 $0x0  }
0x3e: {  	s13 =	smul.u32 s14, s13;
	_ =	sdelay $0x1  }
0x3f: {  	s14 =	simm.s32 $0x1;
	s13 =	sand.u32 $0x3FFFFFFF, s13  }
0x40: {  	s14 =	simm.s32 @!p0 $0x0;
	_ =	swait.ge [sflag:s4], s13  }
0x41: {  	s28 =	sshll.u32 s14, $0xE;
	s13 =	ssub.s32 $0x0, s13;
	[sflag:s4] =	ssyncset.done $0x0  }
0x42: {  	s29 =	sor.u32 $0x40, s28;
	[sflag:s4] =	ssyncadd.s32 s13  }
0x43: {  	s30 =	smul.u32 $0x10200, s14;
	v0 =	vld [tilespmem:s29+$0x30]  }
0x44: {  	v3 =	vld [tilespmem:s29+$0xFFFFFFD0]  }
0x45: {  	s13 =	sshrl.u32 s30, $0x2;
	v4 =	vld [tilespmem:s29+$0xFFFFFFE0]  }
0x46: {  	s14 =	sor.u32 $0x8000, s13;
	v5 =	vld [tilespmem:s29+$0xFFFFFFF0]  }
0x47: {  	s31 =	sand.u32 $0x1, s6;
	v1 =	vld [tilespmem:s29+$0x0];
	s15 =	sadd.s32 $0x0, s14  }
0x48: {  	s13 =	smul.u32 $0x10200, s31;
	v2 =	vld [tilespmem:s29+$0x10];
	[tilespmem:s15+$0x3870 ss:$0x81] =	vst.msk $0xffff, v0  }
0x49: {  	[tilespmem:s15+$0x810 ss:$0x81] =	vst.msk $0xffff, v3;
	v3 =	vld [tilespmem:s29+$0x20]  }
0x4a: {  	s16 =	sadd.s32 $0x80, s29;
	s13 =	sshrl.u32 s13, $0x2;
	v0 =	vld [tilespmem:s29+$0xFFFFFFC0];
	[tilespmem:s15+$0x1020 ss:$0x81] =	vst.msk $0xffff, v4  }
0x4b: {  	s18 =	simm.s32 $0x8;
	s17 =	simm.s32 $0x4;
	s13 =	sor.u32 $0x8000, s13;
	v4 =	vld [tilespmem:s16+$0x30];
	[tilespmem:s15+$0x1830 ss:$0x81] =	vst.msk $0xffff, v5  }
.LBB1_3:
0x4c: {  	p1 =	sne.s32 s18, $0x1FC;
	v5 =	vld [tilespmem:s16+$0xFFFFFFD0];
	[tilespmem:s15+$0x2040 ss:$0x81] =	vst.msk $0xffff, v1  }
0x4d: {  	v6 =	vld [tilespmem:s16+$0xFFFFFFE0];
	[tilespmem:s15+$0x2850 ss:$0x81] =	vst.msk $0xffff, v2  }
0x4e: {  	s19 =	sshra.s32 s17, $0x2;
	s17 =	smov.u32 s18;
	v7 =	vld [tilespmem:s16+$0xFFFFFFF0];
	[tilespmem:s15+$0x3060 ss:$0x81] =	vst.msk $0xffff, v3  }
.Ltmp3:
0x4f: {  	v1 =	vld [tilespmem:s16+$0x0];
	[tilespmem:s15+$0x0 ss:$0x81] =	vst.msk $0xffff, v0;
	s15 =	sadd.s32 s19, s14;
	(pc) =	sbr.rel @p1 .LBB1_3-.Ltmp3, $4  }
0x50: {  	v2 =	vld [tilespmem:s16+$0x10];
	[tilespmem:s15+$0x3870 ss:$0x81] =	vst.msk $0xffff, v4  }
0x51: {  	[tilespmem:s15+$0x810 ss:$0x81] =	vst.msk $0xffff, v5;
	v3 =	vld [tilespmem:s16+$0x20]  }
0x52: {  	v0 =	vld [tilespmem:s16+$0xFFFFFFC0];
	[tilespmem:s15+$0x1020 ss:$0x81] =	vst.msk $0xffff, v6;
	s16 =	sadd.s32 $0x80, s16  }
0x53: {  	s18 =	sadd.s32 $0x4, s18;
	v4 =	vld [tilespmem:s16+$0x30];
	[tilespmem:s15+$0x1830 ss:$0x81] =	vst.msk $0xffff, v7  }
0x54: {  	v5 =	vld [tilespmem:s16+$0xFFFFFFD0];
	[tilespmem:s15+$0x2040 ss:$0x81] =	vst.msk $0xffff, v1  }
0x55: {  	v58 =	vld [tilespmem:s16+$0xFFFFFFE0];
	[tilespmem:s15+$0x2850 ss:$0x81] =	vst.msk $0xffff, v2  }
0x56: {  	s17 =	sshra.s32 s17, $0x2;
	v59 =	vld [tilespmem:s16+$0xFFFFFFF0];
	[tilespmem:s15+$0x3060 ss:$0x81] =	vst.msk $0xffff, v3  }
0x57: {  	v60 =	vld [tilespmem:s16+$0x0];
	s14 =	sadd.s32 s17, s14;
	[tilespmem:s15+$0x0 ss:$0x81] =	vst.msk $0xffff, v0  }
0x58: {  	v61 =	vld [tilespmem:s16+$0x10];
	[tilespmem:s14+$0x3870 ss:$0x81] =	vst.msk $0xffff, v4  }
0x59: {  	v62 =	vld [tilespmem:s16+$0x20];
	s12 =	sshll.u32 s12, $0x7;
	s28 =	sshll.u32 s10, $0x3;
	[tilespmem:s14+$0x810 ss:$0x81] =	vst.msk $0xffff, v5  }
0x5a: {  	v63 =	vld [tilespmem:s16+$0xFFFFFFC0];
	s29 =	sand.u32 $0x1FC00, s12;
	s15 =	sand.u32 $0x1FC00, s28;
	[tilespmem:s14+$0x1020 ss:$0x81] =	vst.msk $0xffff, v58  }
0x5b: {  	s11 =	sshll.u32 s11, $0xE;
	s12 =	sand.u32 $0x380, s12;
	s15 =	sadd.s32 s15, s29;
	[tilespmem:s14+$0x1830 ss:$0x81] =	vst.msk $0xffff, v59  }
.Ltmp4:
0x5c: {  	s30 =	sshrl.u32 s10, $0x3;
	[tilespmem:s14+$0x2040 ss:$0x81] =	vst.msk $0xffff, v60;
	s12 =	sor.u32 s12, s15;
	(pc) =	sbr.rel .LBB1_5-.Ltmp4, $4  }
0x5d: {  	s11 =	sadd.s32 s3, s11;
	[tilespmem:s14+$0x2850 ss:$0x81] =	vst.msk $0xffff, v61;
	s15 =	sand.u32 $0xF, s30;
	s12 =	sshrl.u32 s12, $0x3  }
0x5e: {  	[tilespmem:s14+$0x3060 ss:$0x81] =	vst.msk $0xffff, v62;
	s11 =	sadd.s32 s15, s11;
	s12 =	sand.u32 $0x3FF0, s12  }
0x5f: {  	s31 =	sand.u32 $0x7, s10;
	[tilespmem:s14+$0x0 ss:$0x81] =	vst.msk $0xffff, v63;
	s11 =	sadd.s32 s12, s11  }
0x60: {  	[hbm4b:s11+s31] =	stream.linear.scatter [tilespmem:s13], [sflag:$0x2], $0x4000, $0x20;
	[tilespmem:$0x10100] =	vst v63  }
.LBB1_6:
0x61: {  	_ =	sfence.sel $0x180000  }
0x62: {  	s2 =	simm.s32 $0x1;
	[bflag:$0x0] =	sbarrier.arrive $0xFFFF  }
0x63: {  	s31 =	simm.s32 $0x2;
	[sflag:s2] =	ssyncpa.u1 $0x1  }
0x64: {  	[sflag:s31] =	ssyncpa.u1 $0x1  }
0x65: {  	p0 =	sne.s32 s1, $0x0;
	_ =	strace $0x90000047  }
0x66: {  	s0 =	sadd.s32 @!p0 $0x100000, s0;
	[bflag:$0x2] =	sbarrier.arrive $0xFFFF  }
0x67: {  	[sflag:s0] =	ssyncadd.tile.s32 @!p0 $0x1;
	_ =	shalt  }
.Lfunc_end1:
_tile_overlayer_lowered:
.L_overlay_start_2:
0x68: {  	(tag) =	ssettag $0x2  }
0x69: {  	s0 =	rddreg [dreg:$0x0];
	s2 =	stileid.u32  }
0x6a: {  	s1 =	rddreg [dreg:$0x1];
	p0 =	sne.s32 s2, $0x0  }
0x6b: {  	s3 =	rddreg [dreg:$0x2];
	[bflag:$0x3] =	sbarrier.arrive $0xFFFF;
	s2 =	simm.s32 @!p0 $0x1C01  }
0x6c: {  	[timem:s3], [sflag:s2] =	dma.local @!p0 [hbm:s0], s1  }
0x6d: {  	s0 =	simm.s32 @!p0 $0x1  }
0x6e: {  	_ =	swait.ge @!p0 [sflag:s0], s1  }
0x6f: {  	s1 =	ssub.s32 @!p0 $0x0, s1;
	[sflag:s0] =	ssyncset.done @!p0 $0x0  }
0x70: {  	[sflag:s0] =	ssyncadd.s32 @!p0 s1  }
0x71: {  	[bflag:$0x3] =	sbarrier.arrive $0xFFFF  }
0x72: {  	_ =	shalt  }

// kernel: sparse-core-data-format-call.cloned.1.call-start
scs
called_computation_lowered:
.L_overlay_start_0:
0x0: {  	s2 =	sld [smem:$0x3FD9]  }
0x1: {  	s3 =	sld [smem:$0x3FFE];
	_ =	sdelay $0x1  }
0x2: {  	s1 =	srdreg.scid  }
0x3: {  	s0 =	sand.u32 $0x1, s1  }
0x4: {  	s15 =	sshll.u32 s0, $0xA;
	s2 =	sadd.s32 s3, s2  }
0x5: {  	s2 =	sadd.s32 s2, s15  }
0x6: {  	[smem:$0x3FC7] =	sst s2  }
0x7: {  	_ = 	snop  }
0x8: {  	s2 =	sld [smem:$0x3FD0];
	_ =	sdelay $0x2  }
0x9: {  	s16 =	simm.s32 $0xA;
	s4 =	simm.s32 $0x10  }
0xa: {  	[smem:s4], [sflag:s16] =	dma.local [hbm:s2], $0x1  }
0xb: {  	_ =	swait.eq [sflag:s16], $0x1  }
0xc: {  	[sflag:s16] =	ssyncset.done $0x0  }
0xd: {  	[sflag:s16] =	ssyncadd.s32 $0xFFFFFFFF  }
0xe: {  	s17 =	sld [smem:$0x10];
	(tm) =	ssettm $0x1  }
0xf: {  	s18 =	sld [smem:$0x3FFB];
	_ =	sdelay $0x3  }
0x10: {  	_ =	strace s18  }
0x11: {  	s3 =	sld [smem:$0x3FFC];
	_ =	sdelay $0x3  }
0x12: {  	_ =	strace s3  }
0x13: {  	s3 =	sld [smem:$0x3FFD];
	_ =	sdelay $0x3  }
0x14: {  	_ =	strace s3  }
0x15: {  	_ =	strace $0x8FFFFFFF  }
0x16: {  	s19 =	sld [smem:$0x3FDB];
	_ =	sdelay $0x1  }
0x17: {  	s20 =	simm.s32 $_scs_section_size  }
0x18: {  	s5 =	simm.s32 $_size__tile_overlayer_lowered;
	s6 =	simm.s32 $_tile_overlayer_lowered  }
0x19: {  	s23 =	simm.s32 $0x1BFF;
	s22 =	sshll.u32 s6, $0x1;
	s3 =	sadd.s32 s20, s19  }
0x1a: {  	s7 =	simm.s32 $0x0;
	s21 =	sshll.u32 s5, $0x1;
	s5 =	sadd.s32 s22, s3  }
0x1b: {  	[timem:s7], [sflag:s23] =	dma.local [hbm:s5], s21  }
0x1c: {  	_ =	swait.ge [sflag:s23], s21  }
0x1d: {  	s4 =	ssub.s32 $0x0, s21;
	[sflag:s23] =	ssyncset.done $0x0  }
0x1e: {  	[sflag:s23] =	ssyncadd.s32 s4;
	_ =	sdelay $0x1  }
0x1f: {  	s24 =	simm.s32 $0x1B8B  }
0x20: {  	_ =	swait.ge [sflag:s24], $0x1  }
0x21: {  	[sflag:s24] =	ssyncset.done $0x0  }
0x22: {  	s26 =	simm.s32 $0x1B8E;
	s25 =	sld [smem:$0x3FFE];
	[sflag:s24] =	ssyncadd.s32 $0xFFFFFFFF  }
0x23: {  	s27 =	simm.s32 $execute0_lowered;
	[smem:$0x3FD2] =	sst s26  }
0x24: {  	s5 =	sshll.u32 s27, $0x1;
	_ =	strace $0x8000004C;
	[dreg:$0x1] =	wrdreg $0xFFFFFFFF  }
0x25: {  	s28 =	simm.s32 $_size_execute0_lowered;
	s3 =	sadd.s32 s3, s5;
	[dreg:$0x0] =	wrdreg $0x0  }
0x26: {  	s5 =	sshll.u32 s28, $0x1;
	[dreg:$0x2] =	wrdreg s3  }
0x27: {  	[dreg:$0x3] =	wrdreg s5  }
0x28: {  	[dreg:$0x4] =	wrdreg $0xC0  }
0x29: {  	_ =	task [dreg:s7], $0x5FFFF  }
0x2a: {  	[dreg:$0x1] =	wrdreg $0xFFFFFFFF  }
0x2b: {  	[dreg:$0x0] =	wrdreg $0x60  }
0x2c: {  	[dreg:$0x2] =	wrdreg s25  }
0x2d: {  	[dreg:$0x3] =	wrdreg s17  }
0x2e: {  	[dreg:$0x4] =	wrdreg $0x9  }
0x2f: {  	_ =	task.clear_ibuf [dreg:s7], $0x5FFFF;
	_ =	strace $0x9000004C  }
0x30: {  	s29 =	simm.s32 $0x9;
	_ =	strace $0x8000004E  }
0x31: {  	_ =	swait.ge [sflag:s29], $0x1  }
0x32: {  	[sflag:s29] =	ssyncadd.s32 $0xFFFFFFFF  }
0x33: {  	_ =	strace $0x9000004E  }
0x34: {  	_ =	sfence  }
0x35: {  	s30 =	sld [smem:$0x0];
	_ =	sdelay $0x2  }
0x36: {  	s31 =	sshll.u32 s1, $0xD;
	s1 =	sshrl.u32 s1, $0x2  }
0x37: {  	s3 =	sand.u32 $0x4000, s31;
	s1 =	sadd.s32 s1, s30  }
0x38: {  	s0 =	sor.u32 s3, s0;
	s1 =	sshll.u32 s1, $0x11  }
0x39: {  	s0 =	sor.u32 s1, s0  }
0x3a: {  	s0 =	sadd.s32 $0x8F2B, s0  }
0x3b: {  	[sflag:s0] =	ssyncadd.remote.s32 $0x1  }
0x3c: {  	_ =	sfence.sel $0xFFFF  }
0x3d: {  	[dreg:$0x0] =	wrdreg $0xFFFFFFFF;
	(pc) =	sbr.abs _section_cstart, $3  }
0x3e: {  	[dreg:$0x1] =	wrdreg $0xFFFFFFFF  }
0x3f: {  	_ =	task.clear_ibuf [dreg:s7], $0x2FFFF;
	_ =	strace $0x9FFFFFFF  }
0x40: {  	(tm) =	ssettm $0x7FFFFFFF  }
0x41: {  	_ =	shalt  }
tec
execute0_lowered:
.L_overlay_start_1:
0x0: {  	(tag) =	ssettag $0x1  }
0x1: {  	s1 =	rddreg [dreg:$0x0]  }
0x2: {  	s2 =	rddreg [dreg:$0x1]  }
0x3: {  	s0 =	rddreg [dreg:$0x2];
	_ =	strace $0x8000004D;
	s4 =	srdreg.scid  }
0x4: {  	s6 =	simm.s32 $0x2;
	s12 =	simm.s32 $0x0;
	p0 =	por $0x0, $0x0  }
.Ltmp0:
0x5: {  	s11 =	simm.s32 $0x0;
	s7 =	simm.s32 $0x0;
	(pc) =	sbr.rel .LBB1_1-.Ltmp0, $4  }
0x6: {  	s8 =	simm.s32 $0x0;
	s3 =	sadd.s32 $0x1200, s1;
	s5 =	sshll.u32 s4, $0x4  }
0x7: {  	s1 =	stileid.u32;
	s4 =	simm.s32 $0x1;
	s5 =	sand.u32 $0x10, s5  }
0x8: {  	s10 =	simm.s32 $0x0;
	[sflag:s4] =	ssyncpa.u1 $0x0;
	s5 =	sor.u32 s1, s5  }
0x9: {  	[sflag:s6] =	ssyncpa.u1 $0x0;
	s6 =	simm.s32 $0x0;
	s9 =	smov.u32 s5  }
.LBB1_5:
0xa: {  	p1 =	slt.u32 s6, $0x2  }
0xb: {  	p2 =	sgt.s32 @!p1 s12, $0x3BF  }
0xc: {  	s13 =	smov.u32 s12;
	s14 =	sshra.s32 @!p1 s12, $0x1F;
	p2 =	por !p2, p1  }
0xd: {  	s12 =	sand.u32 @!p1 s14, s12;
	s13 =	simm.s32 @p2 $0x3BF  }
0xe: {  	s15 =	smov.u32 s10;
	s12 =	ssub.s32 @!p1 s13, s12;
	s13 =	ssub.s32 @!p1 $0x0, s11  }
0xf: {  	s14 =	sadd.s32 @!p1 $0xFFFFFC41, s12;
	s12 =	ssub.s32 @!p1 $0x3C0, s12;
	s11 =	smin.u32 @!p1 s11, s13  }
0x10: {  	p2 =	sgt.s32 @!p1 s14, $0x0;
	s12 =	smul.u32 @!p1 $0x60, s12;
	p3 =	sgt.s32 @!p1 s11, $0x7F  }
0x11: {  	s11 =	ssub.s32 @!p1 $0x80, s11;
	p2 =	por !p2, p1;
	p3 =	por !p3, p1  }
0x12: {  	s13 =	sadd.s32 $0x20, s9;
	s12 =	simm.s32 @!p2 $0x0;
	s11 =	simm.s32 @!p3 $0x0  }
0x13: {  	p2 =	sgt.s32 s13, $0x3BF;
	s11 =	smul.u32 @!p1 s11, s12;
	s12 =	sadd.s32 $0x80, s10  }
0x14: {  	s15 =	smov.u32 @p2 s12  }
0x15: {  	s6 =	sadd.s32 $0x1, s6;
	s13 =	smov.u32 @p2 s5;
	p2 =	sgt.s32 s15, $0x7F  }
0x16: {  	s15 =	simm.s32 @p2 $0x0;
	p2 =	sne.s32 s6, $0x20  }
.Ltmp1:
0x17: {  	p0 =	por !p0, !p0;
	(pc) =	sbr.rel @!p2 .LBB1_6-.Ltmp1, $4  }
0x18: {  	s14 =	simm.s32 @!p1 $0x2;
	s12 =	smov.u32 s7;
	s11 =	sand.u32 @!p1 $0x3FFFFFE0, s11  }
0x19: {  	s7 =	smov.u32 s9;
	s9 =	smov.u32 s13;
	_ =	swait.ge @!p1 [sflag:s14], s11  }
0x1a: {  	s16 =	ssub.s32 @!p1 $0x0, s11;
	s11 =	smov.u32 s8;
	[sflag:s14] =	ssyncset.done @!p1 $0x0  }
0x1b: {  	s8 =	smov.u32 s10;
	s10 =	smov.u32 s15;
	[sflag:s14] =	ssyncadd.s32 @!p1 s16  }
.LBB1_1:
0x1c: {  	p1 =	sgt.u32 s6, $0x1D  }
0x1d: {  	s13 =	sand.u32 @!p1 $0x1FFFFFF, s9  }
0x1e: {  	s14 =	smulhi.u32 @!p1 $0x2222223, s13;
	_ =	sdelay $0x1  }
0x1f: {  	s14 =	sshrl.u32 @!p1 s14, $0x3  }
0x20: {  	s14 =	smul.u32 @!p1 $0x3C0, s14  }
0x21: {  	s15 =	sxor.u32 @!p1 $0xFFFFFFFF, s6;
	s16 =	smul.u32 @!p1 $0x3C00, s10  }
0x22: {  	s15 =	sshll.u32 @!p1 s15, $0xE;
	s13 =	ssub.s32 @!p1 s13, s14  }
0x23: {  	s14 =	sand.u32 @!p1 $0x4000, s15;
	s15 =	sadd.s32 @!p1 s3, s16;
	s13 =	sshll.u32 @!p1 s13, $0x4  }
0x24: {  	s16 =	simm.s32 @!p1 $0x1E000;
	s13 =	sadd.s32 @!p1 s13, s15;
	s15 =	simm.s32 @!p1 $0x80  }
0x25: {  	[tilespmem:s14], [sflag:$0x1] =	stream.strided.gather @!p1 [hbm4b:s13+s15], $0x4000, s16, s15, $0x38;
	[tilespmem:$0x10100] =	vst v63  }
0x26: {  	p1 =	seq.s32 s6, $0x0  }
0x27: {  	p2 =	seq.s32 @!p1 s6, $0x1F  }
0x28: {  	p1 =	por p1, p2  }
.Ltmp2:
0x29: {  	_ = 	snop;
	(pc) =	sbr.rel @p1 .LBB1_5-.Ltmp2, $1  }
0x2a: {  	_ =	sdelay $0x3  }
0x2b: {  	s13 =	simm.s32 $0x1  }
0x2c: {  	_ =	swait.ge [sflag:s4], $0x4000;
	s13 =	simm.s32 @!p0 $0x0  }
0x2d: {  	[sflag:s4] =	ssyncset.done $0x0;
	s14 =	sshll.u32 s13, $0xE  }
0x2e: {  	[sflag:s4] =	ssyncadd.s32 $0xFFFFC000;
	s15 =	sor.u32 $0x40, s14  }
0x2f: {  	s13 =	smul.u32 $0x10200, s13;
	v0 =	vld [tilespmem:s15+$0x30]  }
0x30: {  	v1 =	vld [tilespmem:s15+$0xFFFFFFD0]  }
0x31: {  	s13 =	sshrl.u32 s13, $0x2;
	v5 =	vld [tilespmem:s15+$0xFFFFFFE0]  }
0x32: {  	v6 =	vld [tilespmem:s15+$0xFFFFFFF0];
	s14 =	sor.u32 $0x8000, s13  }
0x33: {  	s31 =	sand.u32 $0x1, s6;
	v4 =	vld [tilespmem:s15+$0x0];
	s16 =	sadd.s32 $0x0, s14  }
0x34: {  	v3 =	vld [tilespmem:s15+$0x10];
	s13 =	smul.u32 $0x10200, s31;
	[tilespmem:s16+$0x3870 ss:$0x81] =	vst.msk $0xffff, v0  }
0x35: {  	v2 =	vld [tilespmem:s15+$0x20];
	[tilespmem:s16+$0x810 ss:$0x81] =	vst.msk $0xffff, v1  }
0x36: {  	s13 =	sshrl.u32 s13, $0x2;
	v0 =	vld [tilespmem:s15+$0xFFFFFFC0];
	[tilespmem:s16+$0x1020 ss:$0x81] =	vst.msk $0xffff, v5;
	s15 =	sadd.s32 $0x80, s15  }
0x37: {  	s17 =	simm.s32 $0x4;
	s18 =	simm.s32 $0x8;
	s13 =	sor.u32 $0x8000, s13;
	[tilespmem:s16+$0x1830 ss:$0x81] =	vst.msk $0xffff, v6;
	v1 =	vld [tilespmem:s15+$0x30]  }
.LBB1_3:
0x38: {  	p1 =	sne.s32 s18, $0x1FC;
	v5 =	vld [tilespmem:s15+$0xFFFFFFD0];
	[tilespmem:s16+$0x2040 ss:$0x81] =	vst.msk $0xffff, v4  }
0x39: {  	v6 =	vld [tilespmem:s15+$0xFFFFFFE0];
	[tilespmem:s16+$0x2850 ss:$0x81] =	vst.msk $0xffff, v3  }
0x3a: {  	s19 =	sshra.s32 s17, $0x2;
	s17 =	smov.u32 s18;
	v7 =	vld [tilespmem:s15+$0xFFFFFFF0];
	[tilespmem:s16+$0x3060 ss:$0x81] =	vst.msk $0xffff, v2  }
.Ltmp3:
0x3b: {  	v4 =	vld [tilespmem:s15+$0x0];
	[tilespmem:s16+$0x0 ss:$0x81] =	vst.msk $0xffff, v0;
	s16 =	sadd.s32 s19, s14;
	(pc) =	sbr.rel @p1 .LBB1_3-.Ltmp3, $4  }
0x3c: {  	v3 =	vld [tilespmem:s15+$0x10];
	[tilespmem:s16+$0x3870 ss:$0x81] =	vst.msk $0xffff, v1  }
0x3d: {  	[tilespmem:s16+$0x810 ss:$0x81] =	vst.msk $0xffff, v5;
	v2 =	vld [tilespmem:s15+$0x20]  }
0x3e: {  	v0 =	vld [tilespmem:s15+$0xFFFFFFC0];
	[tilespmem:s16+$0x1020 ss:$0x81] =	vst.msk $0xffff, v6;
	s15 =	sadd.s32 $0x80, s15  }
0x3f: {  	s18 =	sadd.s32 $0x4, s18;
	v1 =	vld [tilespmem:s15+$0x30];
	[tilespmem:s16+$0x1830 ss:$0x81] =	vst.msk $0xffff, v7  }
0x40: {  	v5 =	vld [tilespmem:s15+$0xFFFFFFD0];
	[tilespmem:s16+$0x2040 ss:$0x81] =	vst.msk $0xffff, v4;
	p1 =	sgt.s32 s7, $0x3BF;
	s18 =	smov.u32 s7  }
0x41: {  	s19 =	sshra.s32 s7, $0x1F;
	v58 =	vld [tilespmem:s15+$0xFFFFFFE0];
	s20 =	sshrl.u32 s8, $0x4;
	s17 =	sshra.s32 s17, $0x2;
	[tilespmem:s16+$0x2850 ss:$0x81] =	vst.msk $0xffff, v3  }
0x42: {  	v59 =	vld [tilespmem:s15+$0xFFFFFFF0];
	s27 =	smul.u32 $0x600, s7;
	s18 =	simm.s32 @!p1 $0x3BF;
	s19 =	sand.u32 s19, s7;
	[tilespmem:s16+$0x3060 ss:$0x81] =	vst.msk $0xffff, v2  }
0x43: {  	v60 =	vld [tilespmem:s15+$0x0];
	s21 =	sand.u32 $0x1FFFFF8, s20;
	s14 =	sadd.s32 s17, s14;
	s18 =	ssub.s32 s18, s19;
	[tilespmem:s16+$0x0 ss:$0x81] =	vst.msk $0xffff, v0  }
0x44: {  	v61 =	vld [tilespmem:s15+$0x10];
	s24 =	ssub.s32 $0x0, s8;
	s22 =	smulhi.u32 $0x2AAAAAB, s21;
	s23 =	ssub.s32 $0x3C0, s18;
	[tilespmem:s14+$0x3870 ss:$0x81] =	vst.msk $0xffff, v1  }
0x45: {  	v62 =	vld [tilespmem:s15+$0x20];
	s26 =	smin.u32 s8, s24;
	s18 =	sadd.s32 $0xFFFFFC41, s18;
	s17 =	smul.u32 $0x60, s23;
	[tilespmem:s14+$0x810 ss:$0x81] =	vst.msk $0xffff, v5  }
0x46: {  	v63 =	vld [tilespmem:s15+$0xFFFFFFC0];
	s28 =	sshrl.u32 s8, $0x3;
	s16 =	ssub.s32 $0x80, s26;
	p1 =	sgt.s32 s18, $0x0;
	[tilespmem:s14+$0x1020 ss:$0x81] =	vst.msk $0xffff, v58  }
0x47: {  	s25 =	smul.u32 $0x60, s22;
	[tilespmem:s14+$0x1830 ss:$0x81] =	vst.msk $0xffff, v59;
	s17 =	simm.s32 @p1 $0x0;
	p1 =	sgt.s32 s26, $0x7F  }
.Ltmp4:
0x48: {  	s29 =	sand.u32 $0xF, s28;
	[tilespmem:s14+$0x2040 ss:$0x81] =	vst.msk $0xffff, v60;
	s16 =	simm.s32 @p1 $0x0;
	(pc) =	sbr.rel .LBB1_5-.Ltmp4, $4  }
0x49: {  	s18 =	sadd.s32 s2, s27;
	[tilespmem:s14+$0x2850 ss:$0x81] =	vst.msk $0xffff, v61;
	s15 =	ssub.s32 s21, s25;
	s16 =	smul.u32 s16, s17  }
0x4a: {  	[tilespmem:s14+$0x3060 ss:$0x81] =	vst.msk $0xffff, v62;
	s15 =	sshll.u32 s15, $0x4;
	s17 =	sadd.s32 s29, s18  }
0x4b: {  	s31 =	sand.u32 $0x7, s8;
	[tilespmem:s14+$0x0 ss:$0x81] =	vst.msk $0xffff, v63;
	s15 =	sadd.s32 s15, s17;
	s30 =	sand.u32 $0x3FFFFFE0, s16  }
0x4c: {  	[hbm4b:s15+s31] =	stream.linear.scatter [tilespmem:s13], [sflag:$0x2], s30, $0x20;
	[tilespmem:$0x10100] =	vst v63  }
.LBB1_6:
0x4d: {  	_ =	sfence.sel $0x180000  }
0x4e: {  	s2 =	simm.s32 $0x1;
	[bflag:$0x0] =	sbarrier.arrive $0xFFFF  }
0x4f: {  	s31 =	simm.s32 $0x2;
	[sflag:s2] =	ssyncpa.u1 $0x1  }
0x50: {  	[sflag:s31] =	ssyncpa.u1 $0x1  }
0x51: {  	p0 =	sne.s32 s1, $0x0;
	_ =	strace $0x9000004D  }
0x52: {  	s0 =	sadd.s32 @!p0 $0x100000, s0;
	[bflag:$0x2] =	sbarrier.arrive $0xFFFF  }
0x53: {  	[sflag:s0] =	ssyncadd.tile.s32 @!p0 $0x1;
	_ =	shalt  }
.Lfunc_end1:
_tile_overlayer_lowered:
.L_overlay_start_2:
0x54: {  	(tag) =	ssettag $0x2  }
0x55: {  	s0 =	rddreg [dreg:$0x0];
	s2 =	stileid.u32  }
0x56: {  	s1 =	rddreg [dreg:$0x1];
	p0 =	sne.s32 s2, $0x0  }
0x57: {  	s3 =	rddreg [dreg:$0x2];
	[bflag:$0x3] =	sbarrier.arrive $0xFFFF;
	s2 =	simm.s32 @!p0 $0x1C01  }
0x58: {  	[timem:s3], [sflag:s2] =	dma.local @!p0 [hbm:s0], s1  }
0x59: {  	s0 =	simm.s32 @!p0 $0x1  }
0x5a: {  	_ =	swait.ge @!p0 [sflag:s0], s1  }
0x5b: {  	s1 =	ssub.s32 @!p0 $0x0, s1;
	[sflag:s0] =	ssyncset.done @!p0 $0x0  }
0x5c: {  	[sflag:s0] =	ssyncadd.s32 @!p0 s1  }
0x5d: {  	[bflag:$0x3] =	sbarrier.arrive $0xFFFF  }
0x5e: {  	_ =	shalt  }

</sc_bundles>
